<compile_context>
chip_gen: v7x
topology: tpu7x:2x2x1
jax: 0.10.2.dev20260603
libtpu: 0.0.44.dev20260713+nightly
codegen_flags: <defaults>
</compile_context>

<pallas_src>
import functools

import jax
import jax.numpy as jnp
from jax import lax
from jax.experimental import pallas as pl
from jax.experimental.pallas import tpu as pltpu
from jax.experimental.pallas import tpu_sc as plsc

EPS = 1e-05
BN_EPS = 1e-05

N = 100000
D = 128
E = 100000

NC = 2
NS = 16
NW = NC * NS
CHUNK = 3200
NP = NW * CHUNK
GW = 128
NWIN = CHUNK // GW
EW = 4000
PADCNT = NP_PAD_STATS = 96
EPAD = 100352
DUMMY_SPREAD = 256

_mesh = plsc.VectorSubcoreMesh(core_axis_name="c", subcore_axis_name="s")
f32 = jnp.float32
i32 = jnp.int32


def _wid():
    return lax.axis_index("s") * NC + lax.axis_index("c")


@functools.partial(
    pl.kernel,
    out_type=jax.ShapeDtypeStruct((NP,), i32),
    mesh=_mesh,
    scratch_types=[
        pltpu.VMEM((CHUNK,), i32),
        pltpu.VMEM((EW,), i32),
    ],
    compiler_params=pltpu.CompilerParams(needs_layout_passes=False),
)
def _winner_sc(row_hbm, wd_hbm, wloc, rbuf):
    wid = _wid()
    n0 = wid * CHUNK
    iota = lax.iota(i32, 16)

    def init_body(i, _):
        wloc[pl.ds(i * 16, 16)] = jnp.full((16,), -1, i32)
        return 0

    lax.fori_loop(0, CHUNK // 16, init_body, 0)

    def win_body(w, _):
        eb = w * EW
        pltpu.sync_copy(row_hbm.at[pl.ds(eb, EW)], rbuf)

        def body(k, _2):
            v = rbuf[pl.ds(k * 16, 16)]
            local = v - n0
            m = (local >= 0) & (local < CHUNK)
            lc = jnp.clip(local, 0, CHUNK - 1)
            jv = (eb + k * 16) + iota
            plsc.store_scatter(wloc, [lc], jv, mask=m)
            return 0

        lax.fori_loop(0, EW // 16, body, 0)
        return 0

    lax.fori_loop(0, E // EW, win_body, 0)

    def fin_body(i, _):
        sl = pl.ds(i * 16, 16)
        wv = wloc[sl]
        n = (n0 + i * 16) + iota
        wloc[sl] = jnp.where(wv < 0, E + (n & (DUMMY_SPREAD - 1)), wv)
        return 0

    lax.fori_loop(0, CHUNK // 16, fin_body, 0)
    pltpu.sync_copy(wloc, wd_hbm.at[pl.ds(n0, CHUNK)])


@functools.partial(
    pl.kernel,
    out_type=(
        jax.ShapeDtypeStruct((NP, D), f32),
        jax.ShapeDtypeStruct((NP, D), f32),
        jax.ShapeDtypeStruct((NW, 2 * D), f32),
    ),
    mesh=_mesh,
    scratch_types=[
        pltpu.VMEM((GW,), i32),
        pltpu.VMEM((GW,), i32),
        pltpu.VMEM((GW, D), f32),
        pltpu.VMEM((GW, D), f32),
        pltpu.VMEM((GW, D), f32),
        pltpu.VMEM((2 * D,), f32),
        pltpu.SemaphoreType.DMA,
    ],
)
def _edge_gather_sc(rowp_hbm, colp_hbm, p_hbm, q_hbm, v_hbm,
                    g12_hbm, g3_hbm, stats_hbm,
                    ridx, cidx, bufp, bufq, bufv, sacc, sem):
    wid = _wid()
    base = wid * CHUNK

    for c in range(2 * D // 16):
        sacc[pl.ds(c * 16, 16)] = jnp.zeros((16,), f32)

    def win_body(w, _):
        wb = base + w * GW

        @pl.when(wb < E)
        def _process():
            pltpu.sync_copy(rowp_hbm.at[pl.ds(wb, GW)], ridx)
            pltpu.sync_copy(colp_hbm.at[pl.ds(wb, GW)], cidx)
            cp1 = pltpu.async_copy(p_hbm.at[ridx], bufp, sem)
            cp2 = pltpu.async_copy(q_hbm.at[cidx], bufq, sem)
            cp3 = pltpu.async_copy(v_hbm.at[cidx], bufv, sem)
            cp1.wait()
            cp2.wait()
            cp3.wait()

            def row_body(r, acc):
                out = []
                for c in range(D // 16):
                    sl = pl.ds(c * 16, 16)
                    g = bufp[r, sl] + bufq[r, sl]
                    bufp[r, sl] = g
                    out.append(acc[2 * c] + g)
                    out.append(acc[2 * c + 1] + g * g)
                return tuple(out)

            acc = lax.fori_loop(
                0, GW, row_body,
                tuple(jnp.zeros((16,), f32) for _ in range(2 * (D // 16))))
            for c in range(D // 16):
                s1 = pl.ds(c * 16, 16)
                s2 = pl.ds(D + c * 16, 16)
                sacc[s1] = sacc[s1] + acc[2 * c]
                sacc[s2] = sacc[s2] + acc[2 * c + 1]
            pltpu.sync_copy(bufp, g12_hbm.at[pl.ds(wb, GW)])
            pltpu.sync_copy(bufv, g3_hbm.at[pl.ds(wb, GW)])

        return 0

    lax.fori_loop(0, NWIN, win_body, 0)
    pltpu.sync_copy(sacc, stats_hbm.at[wid])


@functools.partial(
    pl.kernel,
    out_type=jax.ShapeDtypeStruct((NP, D), f32),
    mesh=_mesh,
    scratch_types=[
        pltpu.VMEM((GW,), i32),
        pltpu.VMEM((GW, D), f32),
        pltpu.SemaphoreType.DMA,
    ],
)
def _node_gather_sc(wd_hbm, eout_hbm, c_hbm, idxb, bufc, sem):
    wid = _wid()
    base = wid * CHUNK

    def win_body(w, _):
        nb = base + w * GW

        @pl.when(nb < E)
        def _process():
            pltpu.sync_copy(wd_hbm.at[pl.ds(nb, GW)], idxb)
            pltpu.async_copy(eout_hbm.at[idxb], bufc, sem).wait()
            pltpu.sync_copy(bufc, c_hbm.at[pl.ds(nb, GW)])

        return 0

    lax.fori_loop(0, NWIN, win_body, 0)


_DN = (((1,), (1,)), ((), ()))


def _mm_body(h_r, e_r, wa, wd, wb, wc, wv, bp, bq, bv, p_r, q_r, v_r):
    hb = h_r[...]
    eb = e_r[...]
    p_r[...] = (lax.dot_general(hb, wa[...], _DN, preferred_element_type=f32)
                + lax.dot_general(eb, wd[...], _DN, preferred_element_type=f32)
                + bp[...])
    q_r[...] = (lax.dot_general(hb, wb[...], _DN, preferred_element_type=f32)
                + lax.dot_general(eb, wc[...], _DN, preferred_element_type=f32)
                + bq[...])
    v_r[...] = lax.dot_general(hb, wv[...], _DN, preferred_element_type=f32) + bv[...]


def _bn_body(g12_r, stats_r, gpad_r, bng_r, bnb_r, out_r):
    stats = stats_r[...]
    gpad = gpad_r[...]
    ssum = jnp.sum(stats[:, :D], axis=0, keepdims=True) - PADCNT * gpad
    ssq = jnp.sum(stats[:, D:], axis=0, keepdims=True) - PADCNT * gpad * gpad
    mean = ssum / E
    var = ssq / E - mean * mean
    a = lax.rsqrt(var + BN_EPS) * bng_r[...]
    b = pl.program_id(0)
    rows = b * 512 + lax.broadcasted_iota(i32, (512, D), 0)
    val = jax.nn.relu((g12_r[...] - mean) * a + bnb_r[...])
    out_r[...] = jnp.where(rows < E, val, 0.0)


def _sig_body(e_r, c_r, g3_r, s_r, acc_r):
    @pl.when(pl.program_id(0) == 0)
    def _init():
        acc_r[...] = jnp.zeros((2, D), f32)

    s = jax.nn.sigmoid(e_r[...] + c_r[...])
    s_r[...] = s
    p0 = jnp.sum(s, axis=0)
    p1 = jnp.sum(s * g3_r[...], axis=0)
    acc_r[...] = acc_r[...] + jnp.stack([p0, p1], axis=0)


def _final_body(h_r, s_r, acc_r, uw, ub, hout_r, enew_r):
    inv = 1.0 / (acc_r[0:1, :] + EPS)
    enew_r[...] = s_r[...] * inv
    hout_r[...] = jax.nn.relu(
        lax.dot_general(h_r[...], uw[...], _DN, preferred_element_type=f32)
        + ub[...] + acc_r[1:2, :] * inv)


def _full(shape):
    nd = len(shape)
    return pl.BlockSpec(shape, lambda b: (0,) * nd)


def kernel(h, e, edge_index, A_w, A_b, B_w, B_b, C_w, C_b, Dm_w, Dm_b,
           U_w, U_b, V_w, V_b, bn_g, bn_b):
    row = edge_index[0]
    col = edge_index[1]
    pad = jnp.zeros((NP - E,), i32)
    rowp = jnp.concatenate([row, pad])
    colp = jnp.concatenate([col, pad])
    bp = (A_b + Dm_b).reshape(1, D)
    bq = (B_b + C_b).reshape(1, D)
    bv = V_b.reshape(1, D)

    wd = _winner_sc(row)

    blk = 1000
    g1 = N // blk
    P, Q, V = pl.pallas_call(
        _mm_body,
        grid=(g1,),
        in_specs=[pl.BlockSpec((blk, D), lambda b: (b, 0)),
                  pl.BlockSpec((blk, D), lambda b: (b, 0)),
                  _full((D, D)), _full((D, D)), _full((D, D)),
                  _full((D, D)), _full((D, D)),
                  _full((1, D)), _full((1, D)), _full((1, D))],
        out_specs=[pl.BlockSpec((blk, D), lambda b: (b, 0))] * 3,
        out_shape=[jax.ShapeDtypeStruct((N, D), f32)] * 3,
    )(h, e, A_w, Dm_w, B_w, C_w, V_w, bp, bq, bv)

    G12, G3, stats = _edge_gather_sc(rowp, colp, P, Q, V)

    gpad = lax.slice(G12, (E, 0), (E + 1, D))
    e_out = pl.pallas_call(
        _bn_body,
        grid=(EPAD // 512,),
        in_specs=[pl.BlockSpec((512, D), lambda b: (b, 0)),
                  _full((NW, 2 * D)), _full((1, D)),
                  _full((1, D)), _full((1, D))],
        out_specs=pl.BlockSpec((512, D), lambda b: (b, 0)),
        out_shape=jax.ShapeDtypeStruct((EPAD, D), f32),
    )(G12, stats, gpad, bn_g.reshape(1, D), bn_b.reshape(1, D))

    c = _node_gather_sc(wd, e_out)

    blk2 = 800
    g2 = N // blk2
    s, acc = pl.pallas_call(
        _sig_body,
        grid=(g2,),
        in_specs=[pl.BlockSpec((blk2, D), lambda b: (b, 0)),
                  pl.BlockSpec((blk2, D), lambda b: (b, 0)),
                  pl.BlockSpec((blk2, D), lambda b: (b, 0))],
        out_specs=[pl.BlockSpec((blk2, D), lambda b: (b, 0)),
                   _full((2, D))],
        out_shape=[jax.ShapeDtypeStruct((N, D), f32),
                   jax.ShapeDtypeStruct((2, D), f32)],
    )(e, c, G3)

    h_out, e_new = pl.pallas_call(
        _final_body,
        grid=(g2,),
        in_specs=[pl.BlockSpec((blk2, D), lambda b: (b, 0)),
                  pl.BlockSpec((blk2, D), lambda b: (b, 0)),
                  _full((2, D)), _full((D, D)), _full((1, D))],
        out_specs=[pl.BlockSpec((blk2, D), lambda b: (b, 0))] * 2,
        out_shape=[jax.ShapeDtypeStruct((N, D), f32)] * 2,
    )(h, s, acc, U_w, U_b.reshape(1, D))

    return (h_out, e_new)

# --- scband reference (transcript-rebuilt; emitter-appended) ---
"""Pipeline reference for scband-gated-network-31061203484850 (READ-ONLY COPY).

The authoritative reference and input builder live on the scoring server;
editing this copy changes nothing except your own understanding.
"""

import jax, jax.numpy as jnp
import numpy as np

N = 100000
D = 128
E = 100000
EPS = 1e-05
BN_EPS = 1e-05


def setup_inputs(seed: int = 0) -> dict:
    key = jax.random.key(seed)
    ks = jax.random.split(key, 16)
    inp = {}
    inp["h"] = jax.random.normal(ks[0], (N, D), dtype=jnp.float32)
    inp["e"] = jax.random.normal(ks[1], (N, D), dtype=jnp.float32)
    inp["edge_index"] = jax.random.randint(ks[2], (2, E), 0, N, dtype=jnp.int32)
    s = 1.0 / np.sqrt(D)
    names = ["A", "B", "C", "Dm", "U", "V"]
    for i, nm in enumerate(names):
        inp[nm + "_w"] = jax.random.uniform(ks[3 + 2 * i], (D, D), minval=-s, maxval=s, dtype=jnp.float32)
        inp[nm + "_b"] = jax.random.uniform(ks[4 + 2 * i], (D,), minval=-s, maxval=s, dtype=jnp.float32)
    inp["bn_g"] = jnp.ones((D,), dtype=jnp.float32)
    inp["bn_b"] = jnp.zeros((D,), dtype=jnp.float32)
    return inp


def reference(h, e, edge_index, A_w, A_b, B_w, B_b, C_w, C_b, Dm_w, Dm_b, U_w, U_b, V_w, V_b, bn_g, bn_b):
    row = edge_index[0]
    col = edge_index[1]
    # e_out = A(h[row]) + B(h[col]) + C(e[col]) + D(e[row])
    e_out = (jnp.take(h, row, axis=0) @ A_w.T + A_b
             + jnp.take(h, col, axis=0) @ B_w.T + B_b
             + jnp.take(e, col, axis=0) @ C_w.T + C_b
             + jnp.take(e, row, axis=0) @ Dm_w.T + Dm_b)
    # BatchNorm1d in training mode: batch stats, biased variance
    mean = jnp.mean(e_out, axis=0)
    var = jnp.mean((e_out - mean) ** 2, axis=0)
    e_out = (e_out - mean) / jnp.sqrt(var + BN_EPS) * bn_g + bn_b
    e_out = jax.nn.relu(e_out)
    # torch: e_new = e.clone(); e_new[row] += e_out  (non-accumulating indexed write)
    e_new = e.at[row].set(jnp.take(e, row, axis=0) + e_out)
    e_new = jax.nn.sigmoid(e_new)
    e_new = e_new / (jnp.sum(e_new, axis=0, keepdims=True) + EPS)
    h_out = (h @ U_w.T + U_b) + jnp.sum(e_new * (jnp.take(h, col, axis=0) @ V_w.T + V_b), axis=0)
    h_out = jax.nn.relu(h_out)
    return (h_out, e_new)

if __name__ == "__main__":
    import jax
    _d = setup_inputs()
    print(jax.jit(kernel)(*tuple(_d.values())))

</pallas_src>

<mosaic_0001>
#map = affine_map<(d0, d1) -> (0)>
module attributes {stable_mosaic.version = 14 : i64} {
  func.func @_winner_sc(%arg0: i32, %arg1: i32, %arg2: memref<100000xi32, #tpu.memory_space<hbm>>, %arg3: memref<102400xi32, #tpu.memory_space<hbm>>, %arg4: memref<3200xi32, #tpu.memory_space<vmem>>, %arg5: memref<4000xi32, #tpu.memory_space<vmem>>) attributes {dimension_semantics = [#tpu.dimension_semantics<core_parallel>, #tpu.dimension_semantics<subcore_parallel>], iteration_bounds = array<i64: 2, 16>, scalar_prefetch = 0 : i64, scratch_operands = 2 : i64, tpu.core_type = #tpu.core_type<sc_vector_subcore>, window_params = [{transform_indices = #map}, {transform_indices = #map}]} {
    %mul3A = arith.constant 2 : i32
    %mul3A_0 = arith.muli %arg1, %mul3A : i32
    %add3A = arith.addi %mul3A_0, %arg0 : i32
    %mul3A_1 = arith.constant 3200 : i32
    %mul3A_2 = arith.muli %add3A, %mul3A_1 : i32
    %iota3A = tpu.iota {dimensions = array<i32: 0>} : vector<16xi32>
    %scan3A = arith.constant 0 : i32
    %scan3A_3 = arith.constant 0 : i32
    %scan3A_4 = arith.constant 200 : i32
    %scan3A_5 = arith.addi %scan3A_3, %scan3A_4 : i32
    %scan3A_6 = arith.constant 1 : i32
    %scan3A_7 = scf.for %scan3A_23 = %scan3A_3 to %scan3A_5 step %scan3A_6 iter_args(%scan3A_24 = %scan3A) -> (i32)  : i32 {
      %broadcast_in_dim3A = arith.constant -1 : i32
      %broadcast_in_dim3A_25 = vector.broadcast %broadcast_in_dim3A : i32 to vector<16xi32>
      %mul3A_26 = arith.constant 16 : i32
      %mul3A_27 = arith.muli %scan3A_23, %mul3A_26 : i32
      %swap3A = arith.index_cast %mul3A_27 : i32 to index
      %swap3A_28 = tpu.vector_load %arg4[%swap3A] {strides = array<i32>} : memref<3200xi32, #tpu.memory_space<vmem>>, vector<16xi32>,
      tpu.vector_store %arg4[%swap3A], %broadcast_in_dim3A_25 {strides = array<i32>} : memref<3200xi32, #tpu.memory_space<vmem>>, vector<16xi32>,
      %scan3A_29 = arith.constant 0 : i32
      scf.yield %scan3A_29 : i32
    }
    %scan3A_8 = arith.constant 200 : i32
    %scan3A_9 = arith.constant 0 : i32
    %scan3A_10 = arith.constant 0 : i32
    %scan3A_11 = arith.constant 25 : i32
    %scan3A_12 = arith.addi %scan3A_10, %scan3A_11 : i32
    %scan3A_13 = arith.constant 1 : i32
    %scan3A_14 = scf.for %scan3A_23 = %scan3A_10 to %scan3A_12 step %scan3A_13 iter_args(%scan3A_24 = %scan3A_9) -> (i32)  : i32 {
      %mul3A_25 = arith.constant 4000 : i32
      %mul3A_26 = arith.muli %scan3A_23, %mul3A_25 : i32
      "tpu.region"() ({
        %run_scoped3A = tpu.sem_alloc : memref<!tpu.dma_semaphore, #tpu.memory_space<semaphore_mem>>
        %dma_start3A = tpu.memref_slice %arg2[%mul3A_26] : memref<100000xi32, #tpu.memory_space<hbm>> -> memref<4000xi32, #tpu.memory_space<hbm>>
        %dma_start3A_35 = tpu.memref_slice %arg2[%mul3A_26] : memref<100000xi32, #tpu.memory_space<hbm>> -> memref<4000xi32, #tpu.memory_space<hbm>>
        tpu.enqueue_dma source(%dma_start3A_35 : memref<4000xi32, #tpu.memory_space<hbm>>) target(%arg5 : memref<4000xi32, #tpu.memory_space<vmem>>) target_semaphore(%run_scoped3A : memref<!tpu.dma_semaphore, #tpu.memory_space<semaphore_mem>>)
        %dma_wait3A = tpu.memref_slice %arg2[%mul3A_26] : memref<100000xi32, #tpu.memory_space<hbm>> -> memref<4000xi32, #tpu.memory_space<hbm>>
        %dma_wait3A_36 = tpu.memref_slice %arg2[%mul3A_26] : memref<100000xi32, #tpu.memory_space<hbm>> -> memref<4000xi32, #tpu.memory_space<hbm>>
        tpu.wait_dma2 semaphore(%run_scoped3A : memref<!tpu.dma_semaphore, #tpu.memory_space<semaphore_mem>>) src(%dma_wait3A_36 : memref<4000xi32, #tpu.memory_space<hbm>>) dst(%arg5 : memref<4000xi32, #tpu.memory_space<vmem>>)
        tpu.yield
      }) : () -> ()
      %scan3A_27 = arith.constant 0 : i32
      %scan3A_28 = arith.constant 0 : i32
      %scan3A_29 = arith.constant 250 : i32
      %scan3A_30 = arith.addi %scan3A_28, %scan3A_29 : i32
      %scan3A_31 = arith.constant 1 : i32
      %scan3A_32 = scf.for %scan3A_35 = %scan3A_28 to %scan3A_30 step %scan3A_31 iter_args(%scan3A_36 = %scan3A_27) -> (i32)  : i32 {
        %mul3A_37 = arith.constant 16 : i32
        %mul3A_38 = arith.muli %scan3A_35, %mul3A_37 : i32
        %get3A = arith.index_cast %mul3A_38 : i32 to index
        %get3A_39 = tpu.vector_load %arg5[%get3A] {strides = array<i32>} : memref<4000xi32, #tpu.memory_space<vmem>>, vector<16xi32>,
        %sub3A = vector.broadcast %mul3A_2 : i32 to vector<16xi32>
        %sub3A_40 = arith.subi %get3A_39, %sub3A : vector<16xi32>
        %ge3A = arith.constant 0 : i32
        %ge3A_41 = vector.broadcast %ge3A : i32 to vector<16xi32>
        %ge3A_42 = arith.cmpi sge, %sub3A_40, %ge3A_41 : vector<16xi32>
        %lt3A = arith.constant 3200 : i32
        %lt3A_43 = vector.broadcast %lt3A : i32 to vector<16xi32>
        %lt3A_44 = arith.cmpi slt, %sub3A_40, %lt3A_43 : vector<16xi32>
        %and3A = arith.andi %ge3A_42, %lt3A_44 : vector<16xi1>
        %jit3A = arith.constant 0 : i32
        %jit3A_45 = arith.constant 3199 : i32
        %max3A = vector.broadcast %jit3A : i32 to vector<16xi32>
        %max3A_46 = arith.maxsi %max3A, %sub3A_40 : vector<16xi32>
        %min3A = vector.broadcast %jit3A_45 : i32 to vector<16xi32>
        %min3A_47 = arith.minsi %min3A, %max3A_46 : vector<16xi32>
        %mul3A_48 = arith.constant 16 : i32
        %mul3A_49 = arith.muli %scan3A_35, %mul3A_48 : i32
        %add3A_50 = arith.addi %mul3A_26, %mul3A_49 : i32
        %add3A_51 = vector.broadcast %add3A_50 : i32 to vector<16xi32>
        %add3A_52 = arith.addi %add3A_51, %iota3A : vector<16xi32>
        tpu.vector_store_idx %arg4[%min3A_47], %add3A_52 masked %and3A : memref<3200xi32, #tpu.memory_space<vmem>>[vector<16xi32>], vector<16xi32>, vector<16xi1>
        %scan3A_53 = arith.constant 0 : i32
        scf.yield %scan3A_53 : i32
      }
      %scan3A_33 = arith.constant 250 : i32
      %scan3A_34 = arith.constant 0 : i32
      scf.yield %scan3A_34 : i32
    }
    %scan3A_15 = arith.constant 25 : i32
    %scan3A_16 = arith.constant 0 : i32
    %scan3A_17 = arith.constant 0 : i32
    %scan3A_18 = arith.constant 200 : i32
    %scan3A_19 = arith.addi %scan3A_17, %scan3A_18 : i32
    %scan3A_20 = arith.constant 1 : i32
    %scan3A_21 = scf.for %scan3A_23 = %scan3A_17 to %scan3A_19 step %scan3A_20 iter_args(%scan3A_24 = %scan3A_16) -> (i32)  : i32 {
      %mul3A_25 = arith.constant 16 : i32
      %mul3A_26 = arith.muli %scan3A_23, %mul3A_25 : i32
      %get3A = arith.index_cast %mul3A_26 : i32 to index
      %get3A_27 = tpu.vector_load %arg4[%get3A] {strides = array<i32>} : memref<3200xi32, #tpu.memory_space<vmem>>, vector<16xi32>,
      %mul3A_28 = arith.constant 16 : i32
      %mul3A_29 = arith.muli %scan3A_23, %mul3A_28 : i32
      %add3A_30 = arith.addi %mul3A_2, %mul3A_29 : i32
      %add3A_31 = vector.broadcast %add3A_30 : i32 to vector<16xi32>
      %add3A_32 = arith.addi %add3A_31, %iota3A : vector<16xi32>
      %lt3A = arith.constant 0 : i32
      %lt3A_33 = vector.broadcast %lt3A : i32 to vector<16xi32>
      %lt3A_34 = arith.cmpi slt, %get3A_27, %lt3A_33 : vector<16xi32>
      %and3A = arith.constant 255 : i32
      %and3A_35 = vector.broadcast %and3A : i32 to vector<16xi32>
      %and3A_36 = arith.andi %add3A_32, %and3A_35 : vector<16xi32>
      %add3A_37 = arith.constant 100000 : i32
      %add3A_38 = vector.broadcast %add3A_37 : i32 to vector<16xi32>
      %add3A_39 = arith.addi %add3A_38, %and3A_36 : vector<16xi32>
      %select_n3A = arith.select %lt3A_34, %add3A_39, %get3A_27 : vector<16xi1>, vector<16xi32>
      %swap3A = arith.index_cast %mul3A_26 : i32 to index
      %swap3A_40 = tpu.vector_load %arg4[%swap3A] {strides = array<i32>} : memref<3200xi32, #tpu.memory_space<vmem>>, vector<16xi32>,
      tpu.vector_store %arg4[%swap3A], %select_n3A {strides = array<i32>} : memref<3200xi32, #tpu.memory_space<vmem>>, vector<16xi32>,
      %scan3A_41 = arith.constant 0 : i32
      scf.yield %scan3A_41 : i32
    }
    %scan3A_22 = arith.constant 200 : i32
    "tpu.region"() ({
      %run_scoped3A = tpu.sem_alloc : memref<!tpu.dma_semaphore, #tpu.memory_space<semaphore_mem>>
      %dma_start3A = tpu.memref_slice %arg3[%mul3A_2] : memref<102400xi32, #tpu.memory_space<hbm>> -> memref<3200xi32, #tpu.memory_space<hbm>>
      %dma_start3A_23 = tpu.memref_slice %arg3[%mul3A_2] : memref<102400xi32, #tpu.memory_space<hbm>> -> memref<3200xi32, #tpu.memory_space<hbm>>
      tpu.enqueue_dma source(%arg4 : memref<3200xi32, #tpu.memory_space<vmem>>) target(%dma_start3A_23 : memref<3200xi32, #tpu.memory_space<hbm>>) target_semaphore(%run_scoped3A : memref<!tpu.dma_semaphore, #tpu.memory_space<semaphore_mem>>)
      %dma_wait3A = tpu.memref_slice %arg3[%mul3A_2] : memref<102400xi32, #tpu.memory_space<hbm>> -> memref<3200xi32, #tpu.memory_space<hbm>>
      %dma_wait3A_24 = tpu.memref_slice %arg3[%mul3A_2] : memref<102400xi32, #tpu.memory_space<hbm>> -> memref<3200xi32, #tpu.memory_space<hbm>>
      tpu.wait_dma2 semaphore(%run_scoped3A : memref<!tpu.dma_semaphore, #tpu.memory_space<semaphore_mem>>) src(%arg4 : memref<3200xi32, #tpu.memory_space<vmem>>) dst(%dma_wait3A_24 : memref<3200xi32, #tpu.memory_space<hbm>>)
      tpu.yield
    }) : () -> ()
    return
  }
}

#map = affine_map<(d0, d1) -> (0)>
#map1 = affine_map<(d0, d1) -> (0, 0)>
module attributes {stable_mosaic.version = 14 : i64} {
  func.func @_node_gather_sc(%arg0: i32, %arg1: i32, %arg2: memref<102400xi32, #tpu.memory_space<hbm>>, %arg3: memref<100352x128xf32, #tpu.memory_space<hbm>>, %arg4: memref<102400x128xf32, #tpu.memory_space<hbm>>, %arg5: memref<128xi32, #tpu.memory_space<vmem>>, %arg6: memref<128x128xf32, #tpu.memory_space<vmem>>, %arg7: memref<!tpu.dma_semaphore, #tpu.memory_space<semaphore_mem>>) attributes {dimension_semantics = [#tpu.dimension_semantics<core_parallel>, #tpu.dimension_semantics<subcore_parallel>], iteration_bounds = array<i64: 2, 16>, scalar_prefetch = 0 : i64, scratch_operands = 3 : i64, tpu.core_type = #tpu.core_type<sc_vector_subcore>, window_params = [{transform_indices = #map}, {transform_indices = #map1}, {transform_indices = #map1}]} {
    %mul3A = arith.constant 2 : i32
    %mul3A_0 = arith.muli %arg1, %mul3A : i32
    %add3A = arith.addi %mul3A_0, %arg0 : i32
    %mul3A_1 = arith.constant 3200 : i32
    %mul3A_2 = arith.muli %add3A, %mul3A_1 : i32
    %scan3A = arith.constant 0 : i32
    %scan3A_3 = arith.constant 0 : i32
    %scan3A_4 = arith.constant 25 : i32
    %scan3A_5 = arith.addi %scan3A_3, %scan3A_4 : i32
    %scan3A_6 = arith.constant 1 : i32
    %scan3A_7 = scf.for %scan3A_9 = %scan3A_3 to %scan3A_5 step %scan3A_6 iter_args(%scan3A_10 = %scan3A) -> (i32)  : i32 {
      %mul3A_11 = arith.constant 128 : i32
      %mul3A_12 = arith.muli %scan3A_9, %mul3A_11 : i32
      %add3A_13 = arith.addi %mul3A_2, %mul3A_12 : i32
      %lt3A = arith.constant 100000 : i32
      %lt3A_14 = arith.cmpi slt, %add3A_13, %lt3A : i32
      %convert_element_type3A = arith.extui %lt3A_14 : i1 to i32
      %cond3A = arith.constant 0 : i32
      %cond3A_15 = arith.cmpi ne, %convert_element_type3A, %cond3A : i32
      scf.if %cond3A_15 {
        "tpu.region"() ({
          %run_scoped3A = tpu.sem_alloc : memref<!tpu.dma_semaphore, #tpu.memory_space<semaphore_mem>>
          %dma_start3A_21 = tpu.memref_slice %arg2[%add3A_13] : memref<102400xi32, #tpu.memory_space<hbm>> -> memref<128xi32, #tpu.memory_space<hbm>>
          %dma_start3A_22 = tpu.memref_slice %arg2[%add3A_13] : memref<102400xi32, #tpu.memory_space<hbm>> -> memref<128xi32, #tpu.memory_space<hbm>>
          tpu.enqueue_dma source(%dma_start3A_22 : memref<128xi32, #tpu.memory_space<hbm>>) target(%arg5 : memref<128xi32, #tpu.memory_space<vmem>>) target_semaphore(%run_scoped3A : memref<!tpu.dma_semaphore, #tpu.memory_space<semaphore_mem>>)
          %dma_wait3A_23 = tpu.memref_slice %arg2[%add3A_13] : memref<102400xi32, #tpu.memory_space<hbm>> -> memref<128xi32, #tpu.memory_space<hbm>>
          %dma_wait3A_24 = tpu.memref_slice %arg2[%add3A_13] : memref<102400xi32, #tpu.memory_space<hbm>> -> memref<128xi32, #tpu.memory_space<hbm>>
          tpu.wait_dma2 semaphore(%run_scoped3A : memref<!tpu.dma_semaphore, #tpu.memory_space<semaphore_mem>>) src(%dma_wait3A_24 : memref<128xi32, #tpu.memory_space<hbm>>) dst(%arg5 : memref<128xi32, #tpu.memory_space<vmem>>)
          tpu.yield
        }) : () -> ()
        %dma_start3A = arith.constant 0 : i32
        %dma_start3A_17 = arith.constant 0 : i32
        %dma_start3A_18 = tpu.memref_slice %arg3[%dma_start3A, %dma_start3A_17] : memref<100352x128xf32, #tpu.memory_space<hbm>> -> memref<100352x128xf32, #tpu.memory_space<hbm>>
        tpu.enqueue_indirect_dma source(%dma_start3A_18 : memref<100352x128xf32, #tpu.memory_space<hbm>>) target(%arg6 : memref<128x128xf32, #tpu.memory_space<vmem>>) offsets(%arg5 : memref<128xi32, #tpu.memory_space<vmem>>) semaphore(%arg7 : memref<!tpu.dma_semaphore, #tpu.memory_space<semaphore_mem>>)
        %dma_wait3A = arith.constant 0 : i32
        %dma_wait3A_19 = arith.constant 0 : i32
        %dma_wait3A_20 = tpu.memref_slice %arg3[%dma_wait3A, %dma_wait3A_19] : memref<100352x128xf32, #tpu.memory_space<hbm>> -> memref<100352x128xf32, #tpu.memory_space<hbm>>
        tpu.wait_indirect_dma semaphore(%arg7 : memref<!tpu.dma_semaphore, #tpu.memory_space<semaphore_mem>>) src(%dma_wait3A_20 : memref<100352x128xf32, #tpu.memory_space<hbm>>) dst(%arg6 : memref<128x128xf32, #tpu.memory_space<vmem>>)
        "tpu.region"() ({
          %run_scoped3A = tpu.sem_alloc : memref<!tpu.dma_semaphore, #tpu.memory_space<semaphore_mem>>
          %dma_start3A_21 = arith.constant 0 : i32
          %dma_start3A_22 = tpu.memref_slice %arg4[%add3A_13, %dma_start3A_21] : memref<102400x128xf32, #tpu.memory_space<hbm>> -> memref<128x128xf32, #tpu.memory_space<hbm>>
          %dma_start3A_23 = arith.constant 0 : i32
          %dma_start3A_24 = tpu.memref_slice %arg4[%add3A_13, %dma_start3A_23] : memref<102400x128xf32, #tpu.memory_space<hbm>> -> memref<128x128xf32, #tpu.memory_space<hbm>>
          tpu.enqueue_dma source(%arg6 : memref<128x128xf32, #tpu.memory_space<vmem>>) target(%dma_start3A_24 : memref<128x128xf32, #tpu.memory_space<hbm>>) target_semaphore(%run_scoped3A : memref<!tpu.dma_semaphore, #tpu.memory_space<semaphore_mem>>)
          %dma_wait3A_25 = arith.constant 0 : i32
          %dma_wait3A_26 = tpu.memref_slice %arg4[%add3A_13, %dma_wait3A_25] : memref<102400x128xf32, #tpu.memory_space<hbm>> -> memref<128x128xf32, #tpu.memory_space<hbm>>
          %dma_wait3A_27 = arith.constant 0 : i32
          %dma_wait3A_28 = tpu.memref_slice %arg4[%add3A_13, %dma_wait3A_27] : memref<102400x128xf32, #tpu.memory_space<hbm>> -> memref<128x128xf32, #tpu.memory_space<hbm>>
          tpu.wait_dma2 semaphore(%run_scoped3A : memref<!tpu.dma_semaphore, #tpu.memory_space<semaphore_mem>>) src(%arg6 : memref<128x128xf32, #tpu.memory_space<vmem>>) dst(%dma_wait3A_28 : memref<128x128xf32, #tpu.memory_space<hbm>>)
          tpu.yield
        }) : () -> ()
      } else {
      }
      %scan3A_16 = arith.constant 0 : i32
      scf.yield %scan3A_16 : i32
    }
    %scan3A_8 = arith.constant 25 : i32
    return
  }
}

#map = affine_map<(d0, d1) -> (0)>
#map1 = affine_map<(d0, d1) -> (0, 0)>
module attributes {stable_mosaic.version = 14 : i64} {
  func.func @_edge_gather_sc(%arg0: i32, %arg1: i32, %arg2: memref<102400xi32, #tpu.memory_space<hbm>>, %arg3: memref<102400xi32, #tpu.memory_space<hbm>>, %arg4: memref<100000x128xf32, #tpu.memory_space<hbm>>, %arg5: memref<100000x128xf32, #tpu.memory_space<hbm>>, %arg6: memref<100000x128xf32, #tpu.memory_space<hbm>>, %arg7: memref<102400x128xf32, #tpu.memory_space<hbm>>, %arg8: memref<102400x128xf32, #tpu.memory_space<hbm>>, %arg9: memref<32x256xf32, #tpu.memory_space<hbm>>, %arg10: memref<128xi32, #tpu.memory_space<vmem>>, %arg11: memref<128xi32, #tpu.memory_space<vmem>>, %arg12: memref<128x128xf32, #tpu.memory_space<vmem>>, %arg13: memref<128x128xf32, #tpu.memory_space<vmem>>, %arg14: memref<128x128xf32, #tpu.memory_space<vmem>>, %arg15: memref<256xf32, #tpu.memory_space<vmem>>, %arg16: memref<!tpu.dma_semaphore, #tpu.memory_space<semaphore_mem>>) attributes {dimension_semantics = [#tpu.dimension_semantics<core_parallel>, #tpu.dimension_semantics<subcore_parallel>], iteration_bounds = array<i64: 2, 16>, scalar_prefetch = 0 : i64, scratch_operands = 7 : i64, tpu.core_type = #tpu.core_type<sc_vector_subcore>, window_params = [{transform_indices = #map}, {transform_indices = #map}, {transform_indices = #map1}, {transform_indices = #map1}, {transform_indices = #map1}, {transform_indices = #map1}, {transform_indices = #map1}, {transform_indices = #map1}]} {
    %mul3A = arith.constant 2 : i32
    %mul3A_0 = arith.muli %arg1, %mul3A : i32
    %add3A = arith.addi %mul3A_0, %arg0 : i32
    %mul3A_1 = arith.constant 3200 : i32
    %mul3A_2 = arith.muli %add3A, %mul3A_1 : i32
    %broadcast_in_dim3A = arith.constant 0.000000e+00 : f32
    %broadcast_in_dim3A_3 = vector.broadcast %broadcast_in_dim3A : f32 to vector<16xf32>
    %swap3A = arith.constant 0 : index
    %swap3A_4 = tpu.vector_load %arg15[%swap3A] {strides = array<i32>} : memref<256xf32, #tpu.memory_space<vmem>>, vector<16xf32>,
    %swap3A_5 = vector.shape_cast %swap3A_4 : vector<16xf32> to vector<16xf32>
    %swap3A_6 = vector.shape_cast %broadcast_in_dim3A_3 : vector<16xf32> to vector<16xf32>
    tpu.vector_store %arg15[%swap3A], %swap3A_6 {strides = array<i32>} : memref<256xf32, #tpu.memory_space<vmem>>, vector<16xf32>,
    %broadcast_in_dim3A_7 = arith.constant 0.000000e+00 : f32
    %broadcast_in_dim3A_8 = vector.broadcast %broadcast_in_dim3A_7 : f32 to vector<16xf32>
    %swap3A_9 = arith.constant 16 : index
    %swap3A_10 = tpu.vector_load %arg15[%swap3A_9] {strides = array<i32>} : memref<256xf32, #tpu.memory_space<vmem>>, vector<16xf32>,
    %swap3A_11 = vector.shape_cast %swap3A_10 : vector<16xf32> to vector<16xf32>
    %swap3A_12 = vector.shape_cast %broadcast_in_dim3A_8 : vector<16xf32> to vector<16xf32>
    tpu.vector_store %arg15[%swap3A_9], %swap3A_12 {strides = array<i32>} : memref<256xf32, #tpu.memory_space<vmem>>, vector<16xf32>,
    %broadcast_in_dim3A_13 = arith.constant 0.000000e+00 : f32
    %broadcast_in_dim3A_14 = vector.broadcast %broadcast_in_dim3A_13 : f32 to vector<16xf32>
    %swap3A_15 = arith.constant 32 : index
    %swap3A_16 = tpu.vector_load %arg15[%swap3A_15] {strides = array<i32>} : memref<256xf32, #tpu.memory_space<vmem>>, vector<16xf32>,
    %swap3A_17 = vector.shape_cast %swap3A_16 : vector<16xf32> to vector<16xf32>
    %swap3A_18 = vector.shape_cast %broadcast_in_dim3A_14 : vector<16xf32> to vector<16xf32>
    tpu.vector_store %arg15[%swap3A_15], %swap3A_18 {strides = array<i32>} : memref<256xf32, #tpu.memory_space<vmem>>, vector<16xf32>,
    %broadcast_in_dim3A_19 = arith.constant 0.000000e+00 : f32
    %broadcast_in_dim3A_20 = vector.broadcast %broadcast_in_dim3A_19 : f32 to vector<16xf32>
    %swap3A_21 = arith.constant 48 : index
    %swap3A_22 = tpu.vector_load %arg15[%swap3A_21] {strides = array<i32>} : memref<256xf32, #tpu.memory_space<vmem>>, vector<16xf32>,
    %swap3A_23 = vector.shape_cast %swap3A_22 : vector<16xf32> to vector<16xf32>
    %swap3A_24 = vector.shape_cast %broadcast_in_dim3A_20 : vector<16xf32> to vector<16xf32>
    tpu.vector_store %arg15[%swap3A_21], %swap3A_24 {strides = array<i32>} : memref<256xf32, #tpu.memory_space<vmem>>, vector<16xf32>,
    %broadcast_in_dim3A_25 = arith.constant 0.000000e+00 : f32
    %broadcast_in_dim3A_26 = vector.broadcast %broadcast_in_dim3A_25 : f32 to vector<16xf32>
    %swap3A_27 = arith.constant 64 : index
    %swap3A_28 = tpu.vector_load %arg15[%swap3A_27] {strides = array<i32>} : memref<256xf32, #tpu.memory_space<vmem>>, vector<16xf32>,
    %swap3A_29 = vector.shape_cast %swap3A_28 : vector<16xf32> to vector<16xf32>
    %swap3A_30 = vector.shape_cast %broadcast_in_dim3A_26 : vector<16xf32> to vector<16xf32>
    tpu.vector_store %arg15[%swap3A_27], %swap3A_30 {strides = array<i32>} : memref<256xf32, #tpu.memory_space<vmem>>, vector<16xf32>,
    %broadcast_in_dim3A_31 = arith.constant 0.000000e+00 : f32
    %broadcast_in_dim3A_32 = vector.broadcast %broadcast_in_dim3A_31 : f32 to vector<16xf32>
    %swap3A_33 = arith.constant 80 : index
    %swap3A_34 = tpu.vector_load %arg15[%swap3A_33] {strides = array<i32>} : memref<256xf32, #tpu.memory_space<vmem>>, vector<16xf32>,
    %swap3A_35 = vector.shape_cast %swap3A_34 : vector<16xf32> to vector<16xf32>
    %swap3A_36 = vector.shape_cast %broadcast_in_dim3A_32 : vector<16xf32> to vector<16xf32>
    tpu.vector_store %arg15[%swap3A_33], %swap3A_36 {strides = array<i32>} : memref<256xf32, #tpu.memory_space<vmem>>, vector<16xf32>,
    %broadcast_in_dim3A_37 = arith.constant 0.000000e+00 : f32
    %broadcast_in_dim3A_38 = vector.broadcast %broadcast_in_dim3A_37 : f32 to vector<16xf32>
    %swap3A_39 = arith.constant 96 : index
    %swap3A_40 = tpu.vector_load %arg15[%swap3A_39] {strides = array<i32>} : memref<256xf32, #tpu.memory_space<vmem>>, vector<16xf32>,
    %swap3A_41 = vector.shape_cast %swap3A_40 : vector<16xf32> to vector<16xf32>
    %swap3A_42 = vector.shape_cast %broadcast_in_dim3A_38 : vector<16xf32> to vector<16xf32>
    tpu.vector_store %arg15[%swap3A_39], %swap3A_42 {strides = array<i32>} : memref<256xf32, #tpu.memory_space<vmem>>, vector<16xf32>,
    %broadcast_in_dim3A_43 = arith.constant 0.000000e+00 : f32
    %broadcast_in_dim3A_44 = vector.broadcast %broadcast_in_dim3A_43 : f32 to vector<16xf32>
    %swap3A_45 = arith.constant 112 : index
    %swap3A_46 = tpu.vector_load %arg15[%swap3A_45] {strides = array<i32>} : memref<256xf32, #tpu.memory_space<vmem>>, vector<16xf32>,
    %swap3A_47 = vector.shape_cast %swap3A_46 : vector<16xf32> to vector<16xf32>
    %swap3A_48 = vector.shape_cast %broadcast_in_dim3A_44 : vector<16xf32> to vector<16xf32>
    tpu.vector_store %arg15[%swap3A_45], %swap3A_48 {strides = array<i32>} : memref<256xf32, #tpu.memory_space<vmem>>, vector<16xf32>,
    %broadcast_in_dim3A_49 = arith.constant 0.000000e+00 : f32
    %broadcast_in_dim3A_50 = vector.broadcast %broadcast_in_dim3A_49 : f32 to vector<16xf32>
    %swap3A_51 = arith.constant 128 : index
    %swap3A_52 = tpu.vector_load %arg15[%swap3A_51] {strides = array<i32>} : memref<256xf32, #tpu.memory_space<vmem>>, vector<16xf32>,
    %swap3A_53 = vector.shape_cast %swap3A_52 : vector<16xf32> to vector<16xf32>
    %swap3A_54 = vector.shape_cast %broadcast_in_dim3A_50 : vector<16xf32> to vector<16xf32>
    tpu.vector_store %arg15[%swap3A_51], %swap3A_54 {strides = array<i32>} : memref<256xf32, #tpu.memory_space<vmem>>, vector<16xf32>,
    %broadcast_in_dim3A_55 = arith.constant 0.000000e+00 : f32
    %broadcast_in_dim3A_56 = vector.broadcast %broadcast_in_dim3A_55 : f32 to vector<16xf32>
    %swap3A_57 = arith.constant 144 : index
    %swap3A_58 = tpu.vector_load %arg15[%swap3A_57] {strides = array<i32>} : memref<256xf32, #tpu.memory_space<vmem>>, vector<16xf32>,
    %swap3A_59 = vector.shape_cast %swap3A_58 : vector<16xf32> to vector<16xf32>
    %swap3A_60 = vector.shape_cast %broadcast_in_dim3A_56 : vector<16xf32> to vector<16xf32>
    tpu.vector_store %arg15[%swap3A_57], %swap3A_60 {strides = array<i32>} : memref<256xf32, #tpu.memory_space<vmem>>, vector<16xf32>,
    %broadcast_in_dim3A_61 = arith.constant 0.000000e+00 : f32
    %broadcast_in_dim3A_62 = vector.broadcast %broadcast_in_dim3A_61 : f32 to vector<16xf32>
    %swap3A_63 = arith.constant 160 : index
    %swap3A_64 = tpu.vector_load %arg15[%swap3A_63] {strides = array<i32>} : memref<256xf32, #tpu.memory_space<vmem>>, vector<16xf32>,
    %swap3A_65 = vector.shape_cast %swap3A_64 : vector<16xf32> to vector<16xf32>
    %swap3A_66 = vector.shape_cast %broadcast_in_dim3A_62 : vector<16xf32> to vector<16xf32>
    tpu.vector_store %arg15[%swap3A_63], %swap3A_66 {strides = array<i32>} : memref<256xf32, #tpu.memory_space<vmem>>, vector<16xf32>,
    %broadcast_in_dim3A_67 = arith.constant 0.000000e+00 : f32
    %broadcast_in_dim3A_68 = vector.broadcast %broadcast_in_dim3A_67 : f32 to vector<16xf32>
    %swap3A_69 = arith.constant 176 : index
    %swap3A_70 = tpu.vector_load %arg15[%swap3A_69] {strides = array<i32>} : memref<256xf32, #tpu.memory_space<vmem>>, vector<16xf32>,
    %swap3A_71 = vector.shape_cast %swap3A_70 : vector<16xf32> to vector<16xf32>
    %swap3A_72 = vector.shape_cast %broadcast_in_dim3A_68 : vector<16xf32> to vector<16xf32>
    tpu.vector_store %arg15[%swap3A_69], %swap3A_72 {strides = array<i32>} : memref<256xf32, #tpu.memory_space<vmem>>, vector<16xf32>,
    %broadcast_in_dim3A_73 = arith.constant 0.000000e+00 : f32
    %broadcast_in_dim3A_74 = vector.broadcast %broadcast_in_dim3A_73 : f32 to vector<16xf32>
    %swap3A_75 = arith.constant 192 : index
    %swap3A_76 = tpu.vector_load %arg15[%swap3A_75] {strides = array<i32>} : memref<256xf32, #tpu.memory_space<vmem>>, vector<16xf32>,
    %swap3A_77 = vector.shape_cast %swap3A_76 : vector<16xf32> to vector<16xf32>
    %swap3A_78 = vector.shape_cast %broadcast_in_dim3A_74 : vector<16xf32> to vector<16xf32>
    tpu.vector_store %arg15[%swap3A_75], %swap3A_78 {strides = array<i32>} : memref<256xf32, #tpu.memory_space<vmem>>, vector<16xf32>,
    %broadcast_in_dim3A_79 = arith.constant 0.000000e+00 : f32
    %broadcast_in_dim3A_80 = vector.broadcast %broadcast_in_dim3A_79 : f32 to vector<16xf32>
    %swap3A_81 = arith.constant 208 : index
    %swap3A_82 = tpu.vector_load %arg15[%swap3A_81] {strides = array<i32>} : memref<256xf32, #tpu.memory_space<vmem>>, vector<16xf32>,
    %swap3A_83 = vector.shape_cast %swap3A_82 : vector<16xf32> to vector<16xf32>
    %swap3A_84 = vector.shape_cast %broadcast_in_dim3A_80 : vector<16xf32> to vector<16xf32>
    tpu.vector_store %arg15[%swap3A_81], %swap3A_84 {strides = array<i32>} : memref<256xf32, #tpu.memory_space<vmem>>, vector<16xf32>,
    %broadcast_in_dim3A_85 = arith.constant 0.000000e+00 : f32
    %broadcast_in_dim3A_86 = vector.broadcast %broadcast_in_dim3A_85 : f32 to vector<16xf32>
    %swap3A_87 = arith.constant 224 : index
    %swap3A_88 = tpu.vector_load %arg15[%swap3A_87] {strides = array<i32>} : memref<256xf32, #tpu.memory_space<vmem>>, vector<16xf32>,
    %swap3A_89 = vector.shape_cast %swap3A_88 : vector<16xf32> to vector<16xf32>
    %swap3A_90 = vector.shape_cast %broadcast_in_dim3A_86 : vector<16xf32> to vector<16xf32>
    tpu.vector_store %arg15[%swap3A_87], %swap3A_90 {strides = array<i32>} : memref<256xf32, #tpu.memory_space<vmem>>, vector<16xf32>,
    %broadcast_in_dim3A_91 = arith.constant 0.000000e+00 : f32
    %broadcast_in_dim3A_92 = vector.broadcast %broadcast_in_dim3A_91 : f32 to vector<16xf32>
    %swap3A_93 = arith.constant 240 : index
    %swap3A_94 = tpu.vector_load %arg15[%swap3A_93] {strides = array<i32>} : memref<256xf32, #tpu.memory_space<vmem>>, vector<16xf32>,
    %swap3A_95 = vector.shape_cast %swap3A_94 : vector<16xf32> to vector<16xf32>
    %swap3A_96 = vector.shape_cast %broadcast_in_dim3A_92 : vector<16xf32> to vector<16xf32>
    tpu.vector_store %arg15[%swap3A_93], %swap3A_96 {strides = array<i32>} : memref<256xf32, #tpu.memory_space<vmem>>, vector<16xf32>,
    %scan3A = arith.constant 0 : i32
    %scan3A_97 = arith.constant 0 : i32
    %scan3A_98 = arith.constant 25 : i32
    %scan3A_99 = arith.addi %scan3A_97, %scan3A_98 : i32
    %scan3A_100 = arith.constant 1 : i32
    %scan3A_101 = scf.for %scan3A_103 = %scan3A_97 to %scan3A_99 step %scan3A_100 iter_args(%scan3A_104 = %scan3A) -> (i32)  : i32 {
      %mul3A_105 = arith.constant 128 : i32
      %mul3A_106 = arith.muli %scan3A_103, %mul3A_105 : i32
      %add3A_107 = arith.addi %mul3A_2, %mul3A_106 : i32
      %lt3A = arith.constant 100000 : i32
      %lt3A_108 = arith.cmpi slt, %add3A_107, %lt3A : i32
      %convert_element_type3A = arith.extui %lt3A_108 : i1 to i32
      %cond3A = arith.constant 0 : i32
      %cond3A_109 = arith.cmpi ne, %convert_element_type3A, %cond3A : i32
      scf.if %cond3A_109 {
        "tpu.region"() ({
          %run_scoped3A = tpu.sem_alloc : memref<!tpu.dma_semaphore, #tpu.memory_space<semaphore_mem>>
          %dma_start3A_292 = tpu.memref_slice %arg2[%add3A_107] : memref<102400xi32, #tpu.memory_space<hbm>> -> memref<128xi32, #tpu.memory_space<hbm>>
          %dma_start3A_293 = tpu.memref_slice %arg2[%add3A_107] : memref<102400xi32, #tpu.memory_space<hbm>> -> memref<128xi32, #tpu.memory_space<hbm>>
          tpu.enqueue_dma source(%dma_start3A_293 : memref<128xi32, #tpu.memory_space<hbm>>) target(%arg10 : memref<128xi32, #tpu.memory_space<vmem>>) target_semaphore(%run_scoped3A : memref<!tpu.dma_semaphore, #tpu.memory_space<semaphore_mem>>)
          %dma_wait3A_294 = tpu.memref_slice %arg2[%add3A_107] : memref<102400xi32, #tpu.memory_space<hbm>> -> memref<128xi32, #tpu.memory_space<hbm>>
          %dma_wait3A_295 = tpu.memref_slice %arg2[%add3A_107] : memref<102400xi32, #tpu.memory_space<hbm>> -> memref<128xi32, #tpu.memory_space<hbm>>
          tpu.wait_dma2 semaphore(%run_scoped3A : memref<!tpu.dma_semaphore, #tpu.memory_space<semaphore_mem>>) src(%dma_wait3A_295 : memref<128xi32, #tpu.memory_space<hbm>>) dst(%arg10 : memref<128xi32, #tpu.memory_space<vmem>>)
          tpu.yield
        }) : () -> ()
        "tpu.region"() ({
          %run_scoped3A = tpu.sem_alloc : memref<!tpu.dma_semaphore, #tpu.memory_space<semaphore_mem>>
          %dma_start3A_292 = tpu.memref_slice %arg3[%add3A_107] : memref<102400xi32, #tpu.memory_space<hbm>> -> memref<128xi32, #tpu.memory_space<hbm>>
          %dma_start3A_293 = tpu.memref_slice %arg3[%add3A_107] : memref<102400xi32, #tpu.memory_space<hbm>> -> memref<128xi32, #tpu.memory_space<hbm>>
          tpu.enqueue_dma source(%dma_start3A_293 : memref<128xi32, #tpu.memory_space<hbm>>) target(%arg11 : memref<128xi32, #tpu.memory_space<vmem>>) target_semaphore(%run_scoped3A : memref<!tpu.dma_semaphore, #tpu.memory_space<semaphore_mem>>)
          %dma_wait3A_294 = tpu.memref_slice %arg3[%add3A_107] : memref<102400xi32, #tpu.memory_space<hbm>> -> memref<128xi32, #tpu.memory_space<hbm>>
          %dma_wait3A_295 = tpu.memref_slice %arg3[%add3A_107] : memref<102400xi32, #tpu.memory_space<hbm>> -> memref<128xi32, #tpu.memory_space<hbm>>
          tpu.wait_dma2 semaphore(%run_scoped3A : memref<!tpu.dma_semaphore, #tpu.memory_space<semaphore_mem>>) src(%dma_wait3A_295 : memref<128xi32, #tpu.memory_space<hbm>>) dst(%arg11 : memref<128xi32, #tpu.memory_space<vmem>>)
          tpu.yield
        }) : () -> ()
        %dma_start3A = arith.constant 0 : i32
        %dma_start3A_111 = arith.constant 0 : i32
        %dma_start3A_112 = tpu.memref_slice %arg4[%dma_start3A, %dma_start3A_111] : memref<100000x128xf32, #tpu.memory_space<hbm>> -> memref<100000x128xf32, #tpu.memory_space<hbm>>
        tpu.enqueue_indirect_dma source(%dma_start3A_112 : memref<100000x128xf32, #tpu.memory_space<hbm>>) target(%arg12 : memref<128x128xf32, #tpu.memory_space<vmem>>) offsets(%arg10 : memref<128xi32, #tpu.memory_space<vmem>>) semaphore(%arg16 : memref<!tpu.dma_semaphore, #tpu.memory_space<semaphore_mem>>)
        %dma_start3A_113 = arith.constant 0 : i32
        %dma_start3A_114 = arith.constant 0 : i32
        %dma_start3A_115 = tpu.memref_slice %arg5[%dma_start3A_113, %dma_start3A_114] : memref<100000x128xf32, #tpu.memory_space<hbm>> -> memref<100000x128xf32, #tpu.memory_space<hbm>>
        tpu.enqueue_indirect_dma source(%dma_start3A_115 : memref<100000x128xf32, #tpu.memory_space<hbm>>) target(%arg13 : memref<128x128xf32, #tpu.memory_space<vmem>>) offsets(%arg11 : memref<128xi32, #tpu.memory_space<vmem>>) semaphore(%arg16 : memref<!tpu.dma_semaphore, #tpu.memory_space<semaphore_mem>>)
        %dma_start3A_116 = arith.constant 0 : i32
        %dma_start3A_117 = arith.constant 0 : i32
        %dma_start3A_118 = tpu.memref_slice %arg6[%dma_start3A_116, %dma_start3A_117] : memref<100000x128xf32, #tpu.memory_space<hbm>> -> memref<100000x128xf32, #tpu.memory_space<hbm>>
        tpu.enqueue_indirect_dma source(%dma_start3A_118 : memref<100000x128xf32, #tpu.memory_space<hbm>>) target(%arg14 : memref<128x128xf32, #tpu.memory_space<vmem>>) offsets(%arg11 : memref<128xi32, #tpu.memory_space<vmem>>) semaphore(%arg16 : memref<!tpu.dma_semaphore, #tpu.memory_space<semaphore_mem>>)
        %dma_wait3A = arith.constant 0 : i32
        %dma_wait3A_119 = arith.constant 0 : i32
        %dma_wait3A_120 = tpu.memref_slice %arg4[%dma_wait3A, %dma_wait3A_119] : memref<100000x128xf32, #tpu.memory_space<hbm>> -> memref<100000x128xf32, #tpu.memory_space<hbm>>
        tpu.wait_indirect_dma semaphore(%arg16 : memref<!tpu.dma_semaphore, #tpu.memory_space<semaphore_mem>>) src(%dma_wait3A_120 : memref<100000x128xf32, #tpu.memory_space<hbm>>) dst(%arg12 : memref<128x128xf32, #tpu.memory_space<vmem>>)
        %dma_wait3A_121 = arith.constant 0 : i32
        %dma_wait3A_122 = arith.constant 0 : i32
        %dma_wait3A_123 = tpu.memref_slice %arg5[%dma_wait3A_121, %dma_wait3A_122] : memref<100000x128xf32, #tpu.memory_space<hbm>> -> memref<100000x128xf32, #tpu.memory_space<hbm>>
        tpu.wait_indirect_dma semaphore(%arg16 : memref<!tpu.dma_semaphore, #tpu.memory_space<semaphore_mem>>) src(%dma_wait3A_123 : memref<100000x128xf32, #tpu.memory_space<hbm>>) dst(%arg13 : memref<128x128xf32, #tpu.memory_space<vmem>>)
        %dma_wait3A_124 = arith.constant 0 : i32
        %dma_wait3A_125 = arith.constant 0 : i32
        %dma_wait3A_126 = tpu.memref_slice %arg6[%dma_wait3A_124, %dma_wait3A_125] : memref<100000x128xf32, #tpu.memory_space<hbm>> -> memref<100000x128xf32, #tpu.memory_space<hbm>>
        tpu.wait_indirect_dma semaphore(%arg16 : memref<!tpu.dma_semaphore, #tpu.memory_space<semaphore_mem>>) src(%dma_wait3A_126 : memref<100000x128xf32, #tpu.memory_space<hbm>>) dst(%arg14 : memref<128x128xf32, #tpu.memory_space<vmem>>)
        %broadcast_in_dim3A_127 = arith.constant 0.000000e+00 : f32
        %broadcast_in_dim3A_128 = vector.broadcast %broadcast_in_dim3A_127 : f32 to vector<16xf32>
        %broadcast_in_dim3A_129 = arith.constant 0.000000e+00 : f32
        %broadcast_in_dim3A_130 = vector.broadcast %broadcast_in_dim3A_129 : f32 to vector<16xf32>
        %broadcast_in_dim3A_131 = arith.constant 0.000000e+00 : f32
        %broadcast_in_dim3A_132 = vector.broadcast %broadcast_in_dim3A_131 : f32 to vector<16xf32>
        %broadcast_in_dim3A_133 = arith.constant 0.000000e+00 : f32
        %broadcast_in_dim3A_134 = vector.broadcast %broadcast_in_dim3A_133 : f32 to vector<16xf32>
        %broadcast_in_dim3A_135 = arith.constant 0.000000e+00 : f32
        %broadcast_in_dim3A_136 = vector.broadcast %broadcast_in_dim3A_135 : f32 to vector<16xf32>
        %broadcast_in_dim3A_137 = arith.constant 0.000000e+00 : f32
        %broadcast_in_dim3A_138 = vector.broadcast %broadcast_in_dim3A_137 : f32 to vector<16xf32>
        %broadcast_in_dim3A_139 = arith.constant 0.000000e+00 : f32
        %broadcast_in_dim3A_140 = vector.broadcast %broadcast_in_dim3A_139 : f32 to vector<16xf32>
        %broadcast_in_dim3A_141 = arith.constant 0.000000e+00 : f32
        %broadcast_in_dim3A_142 = vector.broadcast %broadcast_in_dim3A_141 : f32 to vector<16xf32>
        %broadcast_in_dim3A_143 = arith.constant 0.000000e+00 : f32
        %broadcast_in_dim3A_144 = vector.broadcast %broadcast_in_dim3A_143 : f32 to vector<16xf32>
        %broadcast_in_dim3A_145 = arith.constant 0.000000e+00 : f32
        %broadcast_in_dim3A_146 = vector.broadcast %broadcast_in_dim3A_145 : f32 to vector<16xf32>
        %broadcast_in_dim3A_147 = arith.constant 0.000000e+00 : f32
        %broadcast_in_dim3A_148 = vector.broadcast %broadcast_in_dim3A_147 : f32 to vector<16xf32>
        %broadcast_in_dim3A_149 = arith.constant 0.000000e+00 : f32
        %broadcast_in_dim3A_150 = vector.broadcast %broadcast_in_dim3A_149 : f32 to vector<16xf32>
        %broadcast_in_dim3A_151 = arith.constant 0.000000e+00 : f32
        %broadcast_in_dim3A_152 = vector.broadcast %broadcast_in_dim3A_151 : f32 to vector<16xf32>
        %broadcast_in_dim3A_153 = arith.constant 0.000000e+00 : f32
        %broadcast_in_dim3A_154 = vector.broadcast %broadcast_in_dim3A_153 : f32 to vector<16xf32>
        %broadcast_in_dim3A_155 = arith.constant 0.000000e+00 : f32
        %broadcast_in_dim3A_156 = vector.broadcast %broadcast_in_dim3A_155 : f32 to vector<16xf32>
        %broadcast_in_dim3A_157 = arith.constant 0.000000e+00 : f32
        %broadcast_in_dim3A_158 = vector.broadcast %broadcast_in_dim3A_157 : f32 to vector<16xf32>
        %scan3A_159 = arith.constant 0 : i32
        %scan3A_160 = arith.constant 128 : i32
        %scan3A_161 = arith.addi %scan3A_159, %scan3A_160 : i32
        %scan3A_162 = arith.constant 1 : i32
        %scan3A_163:16 = scf.for %scan3A_292 = %scan3A_159 to %scan3A_161 step %scan3A_162 iter_args(%scan3A_293 = %broadcast_in_dim3A_128, %scan3A_294 = %broadcast_in_dim3A_130, %scan3A_295 = %broadcast_in_dim3A_132, %scan3A_296 = %broadcast_in_dim3A_134, %scan3A_297 = %broadcast_in_dim3A_136, %scan3A_298 = %broadcast_in_dim3A_138, %scan3A_299 = %broadcast_in_dim3A_140, %scan3A_300 = %broadcast_in_dim3A_142, %scan3A_301 = %broadcast_in_dim3A_144, %scan3A_302 = %broadcast_in_dim3A_146, %scan3A_303 = %broadcast_in_dim3A_148, %scan3A_304 = %broadcast_in_dim3A_150, %scan3A_305 = %broadcast_in_dim3A_152, %scan3A_306 = %broadcast_in_dim3A_154, %scan3A_307 = %broadcast_in_dim3A_156, %scan3A_308 = %broadcast_in_dim3A_158) -> (vector<16xf32>, vector<16xf32>, vector<16xf32>, vector<16xf32>, vector<16xf32>, vector<16xf32>, vector<16xf32>, vector<16xf32>, vector<16xf32>, vector<16xf32>, vector<16xf32>, vector<16xf32>, vector<16xf32>, vector<16xf32>, vector<16xf32>, vector<16xf32>)  : i32 {
          %get3A_309 = arith.index_cast %scan3A_292 : i32 to index
          %get3A_310 = arith.constant 0 : index
          %get3A_311 = tpu.vector_load %arg12[%get3A_309, %get3A_310] {strides = array<i32>} : memref<128x128xf32, #tpu.memory_space<vmem>>, vector<1x16xf32>,
          %get3A_312 = vector.shape_cast %get3A_311 : vector<1x16xf32> to vector<16xf32>
          %get3A_313 = arith.index_cast %scan3A_292 : i32 to index
          %get3A_314 = arith.constant 0 : index
          %get3A_315 = tpu.vector_load %arg13[%get3A_313, %get3A_314] {strides = array<i32>} : memref<128x128xf32, #tpu.memory_space<vmem>>, vector<1x16xf32>,
          %get3A_316 = vector.shape_cast %get3A_315 : vector<1x16xf32> to vector<16xf32>
          %add3A_317 = arith.addf %get3A_312, %get3A_316 : vector<16xf32>
          %swap3A_318 = arith.index_cast %scan3A_292 : i32 to index
          %swap3A_319 = arith.constant 0 : index
          %swap3A_320 = tpu.vector_load %arg12[%swap3A_318, %swap3A_319] {strides = array<i32>} : memref<128x128xf32, #tpu.memory_space<vmem>>, vector<1x16xf32>,
          %swap3A_321 = vector.shape_cast %swap3A_320 : vector<1x16xf32> to vector<16xf32>
          %swap3A_322 = vector.shape_cast %add3A_317 : vector<16xf32> to vector<1x16xf32>
          tpu.vector_store %arg12[%swap3A_318, %swap3A_319], %swap3A_322 {strides = array<i32>} : memref<128x128xf32, #tpu.memory_space<vmem>>, vector<1x16xf32>,
          %add3A_323 = arith.addf %scan3A_293, %add3A_317 : vector<16xf32>
          %mul3A_324 = arith.mulf %add3A_317, %add3A_317 : vector<16xf32>
          %add3A_325 = arith.addf %scan3A_294, %mul3A_324 : vector<16xf32>
          %get3A_326 = arith.index_cast %scan3A_292 : i32 to index
          %get3A_327 = arith.constant 16 : index
          %get3A_328 = tpu.vector_load %arg12[%get3A_326, %get3A_327] {strides = array<i32>} : memref<128x128xf32, #tpu.memory_space<vmem>>, vector<1x16xf32>,
          %get3A_329 = vector.shape_cast %get3A_328 : vector<1x16xf32> to vector<16xf32>
          %get3A_330 = arith.index_cast %scan3A_292 : i32 to index
          %get3A_331 = arith.constant 16 : index
          %get3A_332 = tpu.vector_load %arg13[%get3A_330, %get3A_331] {strides = array<i32>} : memref<128x128xf32, #tpu.memory_space<vmem>>, vector<1x16xf32>,
          %get3A_333 = vector.shape_cast %get3A_332 : vector<1x16xf32> to vector<16xf32>
          %add3A_334 = arith.addf %get3A_329, %get3A_333 : vector<16xf32>
          %swap3A_335 = arith.index_cast %scan3A_292 : i32 to index
          %swap3A_336 = arith.constant 16 : index
          %swap3A_337 = tpu.vector_load %arg12[%swap3A_335, %swap3A_336] {strides = array<i32>} : memref<128x128xf32, #tpu.memory_space<vmem>>, vector<1x16xf32>,
          %swap3A_338 = vector.shape_cast %swap3A_337 : vector<1x16xf32> to vector<16xf32>
          %swap3A_339 = vector.shape_cast %add3A_334 : vector<16xf32> to vector<1x16xf32>
          tpu.vector_store %arg12[%swap3A_335, %swap3A_336], %swap3A_339 {strides = array<i32>} : memref<128x128xf32, #tpu.memory_space<vmem>>, vector<1x16xf32>,
          %add3A_340 = arith.addf %scan3A_295, %add3A_334 : vector<16xf32>
          %mul3A_341 = arith.mulf %add3A_334, %add3A_334 : vector<16xf32>
          %add3A_342 = arith.addf %scan3A_296, %mul3A_341 : vector<16xf32>
          %get3A_343 = arith.index_cast %scan3A_292 : i32 to index
          %get3A_344 = arith.constant 32 : index
          %get3A_345 = tpu.vector_load %arg12[%get3A_343, %get3A_344] {strides = array<i32>} : memref<128x128xf32, #tpu.memory_space<vmem>>, vector<1x16xf32>,
          %get3A_346 = vector.shape_cast %get3A_345 : vector<1x16xf32> to vector<16xf32>
          %get3A_347 = arith.index_cast %scan3A_292 : i32 to index
          %get3A_348 = arith.constant 32 : index
          %get3A_349 = tpu.vector_load %arg13[%get3A_347, %get3A_348] {strides = array<i32>} : memref<128x128xf32, #tpu.memory_space<vmem>>, vector<1x16xf32>,
          %get3A_350 = vector.shape_cast %get3A_349 : vector<1x16xf32> to vector<16xf32>
          %add3A_351 = arith.addf %get3A_346, %get3A_350 : vector<16xf32>
          %swap3A_352 = arith.index_cast %scan3A_292 : i32 to index
          %swap3A_353 = arith.constant 32 : index
          %swap3A_354 = tpu.vector_load %arg12[%swap3A_352, %swap3A_353] {strides = array<i32>} : memref<128x128xf32, #tpu.memory_space<vmem>>, vector<1x16xf32>,
          %swap3A_355 = vector.shape_cast %swap3A_354 : vector<1x16xf32> to vector<16xf32>
          %swap3A_356 = vector.shape_cast %add3A_351 : vector<16xf32> to vector<1x16xf32>
          tpu.vector_store %arg12[%swap3A_352, %swap3A_353], %swap3A_356 {strides = array<i32>} : memref<128x128xf32, #tpu.memory_space<vmem>>, vector<1x16xf32>,
          %add3A_357 = arith.addf %scan3A_297, %add3A_351 : vector<16xf32>
          %mul3A_358 = arith.mulf %add3A_351, %add3A_351 : vector<16xf32>
          %add3A_359 = arith.addf %scan3A_298, %mul3A_358 : vector<16xf32>
          %get3A_360 = arith.index_cast %scan3A_292 : i32 to index
          %get3A_361 = arith.constant 48 : index
          %get3A_362 = tpu.vector_load %arg12[%get3A_360, %get3A_361] {strides = array<i32>} : memref<128x128xf32, #tpu.memory_space<vmem>>, vector<1x16xf32>,
          %get3A_363 = vector.shape_cast %get3A_362 : vector<1x16xf32> to vector<16xf32>
          %get3A_364 = arith.index_cast %scan3A_292 : i32 to index
          %get3A_365 = arith.constant 48 : index
          %get3A_366 = tpu.vector_load %arg13[%get3A_364, %get3A_365] {strides = array<i32>} : memref<128x128xf32, #tpu.memory_space<vmem>>, vector<1x16xf32>,
          %get3A_367 = vector.shape_cast %get3A_366 : vector<1x16xf32> to vector<16xf32>
          %add3A_368 = arith.addf %get3A_363, %get3A_367 : vector<16xf32>
          %swap3A_369 = arith.index_cast %scan3A_292 : i32 to index
          %swap3A_370 = arith.constant 48 : index
          %swap3A_371 = tpu.vector_load %arg12[%swap3A_369, %swap3A_370] {strides = array<i32>} : memref<128x128xf32, #tpu.memory_space<vmem>>, vector<1x16xf32>,
          %swap3A_372 = vector.shape_cast %swap3A_371 : vector<1x16xf32> to vector<16xf32>
          %swap3A_373 = vector.shape_cast %add3A_368 : vector<16xf32> to vector<1x16xf32>
          tpu.vector_store %arg12[%swap3A_369, %swap3A_370], %swap3A_373 {strides = array<i32>} : memref<128x128xf32, #tpu.memory_space<vmem>>, vector<1x16xf32>,
          %add3A_374 = arith.addf %scan3A_299, %add3A_368 : vector<16xf32>
          %mul3A_375 = arith.mulf %add3A_368, %add3A_368 : vector<16xf32>
          %add3A_376 = arith.addf %scan3A_300, %mul3A_375 : vector<16xf32>
          %get3A_377 = arith.index_cast %scan3A_292 : i32 to index
          %get3A_378 = arith.constant 64 : index
          %get3A_379 = tpu.vector_load %arg12[%get3A_377, %get3A_378] {strides = array<i32>} : memref<128x128xf32, #tpu.memory_space<vmem>>, vector<1x16xf32>,
          %get3A_380 = vector.shape_cast %get3A_379 : vector<1x16xf32> to vector<16xf32>
          %get3A_381 = arith.index_cast %scan3A_292 : i32 to index
          %get3A_382 = arith.constant 64 : index
          %get3A_383 = tpu.vector_load %arg13[%get3A_381, %get3A_382] {strides = array<i32>} : memref<128x128xf32, #tpu.memory_space<vmem>>, vector<1x16xf32>,
          %get3A_384 = vector.shape_cast %get3A_383 : vector<1x16xf32> to vector<16xf32>
          %add3A_385 = arith.addf %get3A_380, %get3A_384 : vector<16xf32>
          %swap3A_386 = arith.index_cast %scan3A_292 : i32 to index
          %swap3A_387 = arith.constant 64 : index
          %swap3A_388 = tpu.vector_load %arg12[%swap3A_386, %swap3A_387] {strides = array<i32>} : memref<128x128xf32, #tpu.memory_space<vmem>>, vector<1x16xf32>,
          %swap3A_389 = vector.shape_cast %swap3A_388 : vector<1x16xf32> to vector<16xf32>
          %swap3A_390 = vector.shape_cast %add3A_385 : vector<16xf32> to vector<1x16xf32>
          tpu.vector_store %arg12[%swap3A_386, %swap3A_387], %swap3A_390 {strides = array<i32>} : memref<128x128xf32, #tpu.memory_space<vmem>>, vector<1x16xf32>,
          %add3A_391 = arith.addf %scan3A_301, %add3A_385 : vector<16xf32>
          %mul3A_392 = arith.mulf %add3A_385, %add3A_385 : vector<16xf32>
          %add3A_393 = arith.addf %scan3A_302, %mul3A_392 : vector<16xf32>
          %get3A_394 = arith.index_cast %scan3A_292 : i32 to index
          %get3A_395 = arith.constant 80 : index
          %get3A_396 = tpu.vector_load %arg12[%get3A_394, %get3A_395] {strides = array<i32>} : memref<128x128xf32, #tpu.memory_space<vmem>>, vector<1x16xf32>,
          %get3A_397 = vector.shape_cast %get3A_396 : vector<1x16xf32> to vector<16xf32>
          %get3A_398 = arith.index_cast %scan3A_292 : i32 to index
          %get3A_399 = arith.constant 80 : index
          %get3A_400 = tpu.vector_load %arg13[%get3A_398, %get3A_399] {strides = array<i32>} : memref<128x128xf32, #tpu.memory_space<vmem>>, vector<1x16xf32>,
          %get3A_401 = vector.shape_cast %get3A_400 : vector<1x16xf32> to vector<16xf32>
          %add3A_402 = arith.addf %get3A_397, %get3A_401 : vector<16xf32>
          %swap3A_403 = arith.index_cast %scan3A_292 : i32 to index
          %swap3A_404 = arith.constant 80 : index
          %swap3A_405 = tpu.vector_load %arg12[%swap3A_403, %swap3A_404] {strides = array<i32>} : memref<128x128xf32, #tpu.memory_space<vmem>>, vector<1x16xf32>,
          %swap3A_406 = vector.shape_cast %swap3A_405 : vector<1x16xf32> to vector<16xf32>
          %swap3A_407 = vector.shape_cast %add3A_402 : vector<16xf32> to vector<1x16xf32>
          tpu.vector_store %arg12[%swap3A_403, %swap3A_404], %swap3A_407 {strides = array<i32>} : memref<128x128xf32, #tpu.memory_space<vmem>>, vector<1x16xf32>,
          %add3A_408 = arith.addf %scan3A_303, %add3A_402 : vector<16xf32>
          %mul3A_409 = arith.mulf %add3A_402, %add3A_402 : vector<16xf32>
          %add3A_410 = arith.addf %scan3A_304, %mul3A_409 : vector<16xf32>
          %get3A_411 = arith.index_cast %scan3A_292 : i32 to index
          %get3A_412 = arith.constant 96 : index
          %get3A_413 = tpu.vector_load %arg12[%get3A_411, %get3A_412] {strides = array<i32>} : memref<128x128xf32, #tpu.memory_space<vmem>>, vector<1x16xf32>,
          %get3A_414 = vector.shape_cast %get3A_413 : vector<1x16xf32> to vector<16xf32>
          %get3A_415 = arith.index_cast %scan3A_292 : i32 to index
          %get3A_416 = arith.constant 96 : index
          %get3A_417 = tpu.vector_load %arg13[%get3A_415, %get3A_416] {strides = array<i32>} : memref<128x128xf32, #tpu.memory_space<vmem>>, vector<1x16xf32>,
          %get3A_418 = vector.shape_cast %get3A_417 : vector<1x16xf32> to vector<16xf32>
          %add3A_419 = arith.addf %get3A_414, %get3A_418 : vector<16xf32>
          %swap3A_420 = arith.index_cast %scan3A_292 : i32 to index
          %swap3A_421 = arith.constant 96 : index
          %swap3A_422 = tpu.vector_load %arg12[%swap3A_420, %swap3A_421] {strides = array<i32>} : memref<128x128xf32, #tpu.memory_space<vmem>>, vector<1x16xf32>,
          %swap3A_423 = vector.shape_cast %swap3A_422 : vector<1x16xf32> to vector<16xf32>
          %swap3A_424 = vector.shape_cast %add3A_419 : vector<16xf32> to vector<1x16xf32>
          tpu.vector_store %arg12[%swap3A_420, %swap3A_421], %swap3A_424 {strides = array<i32>} : memref<128x128xf32, #tpu.memory_space<vmem>>, vector<1x16xf32>,
          %add3A_425 = arith.addf %scan3A_305, %add3A_419 : vector<16xf32>
          %mul3A_426 = arith.mulf %add3A_419, %add3A_419 : vector<16xf32>
          %add3A_427 = arith.addf %scan3A_306, %mul3A_426 : vector<16xf32>
          %get3A_428 = arith.index_cast %scan3A_292 : i32 to index
          %get3A_429 = arith.constant 112 : index
          %get3A_430 = tpu.vector_load %arg12[%get3A_428, %get3A_429] {strides = array<i32>} : memref<128x128xf32, #tpu.memory_space<vmem>>, vector<1x16xf32>,
          %get3A_431 = vector.shape_cast %get3A_430 : vector<1x16xf32> to vector<16xf32>
          %get3A_432 = arith.index_cast %scan3A_292 : i32 to index
          %get3A_433 = arith.constant 112 : index
          %get3A_434 = tpu.vector_load %arg13[%get3A_432, %get3A_433] {strides = array<i32>} : memref<128x128xf32, #tpu.memory_space<vmem>>, vector<1x16xf32>,
          %get3A_435 = vector.shape_cast %get3A_434 : vector<1x16xf32> to vector<16xf32>
          %add3A_436 = arith.addf %get3A_431, %get3A_435 : vector<16xf32>
          %swap3A_437 = arith.index_cast %scan3A_292 : i32 to index
          %swap3A_438 = arith.constant 112 : index
          %swap3A_439 = tpu.vector_load %arg12[%swap3A_437, %swap3A_438] {strides = array<i32>} : memref<128x128xf32, #tpu.memory_space<vmem>>, vector<1x16xf32>,
          %swap3A_440 = vector.shape_cast %swap3A_439 : vector<1x16xf32> to vector<16xf32>
          %swap3A_441 = vector.shape_cast %add3A_436 : vector<16xf32> to vector<1x16xf32>
          tpu.vector_store %arg12[%swap3A_437, %swap3A_438], %swap3A_441 {strides = array<i32>} : memref<128x128xf32, #tpu.memory_space<vmem>>, vector<1x16xf32>,
          %add3A_442 = arith.addf %scan3A_307, %add3A_436 : vector<16xf32>
          %mul3A_443 = arith.mulf %add3A_436, %add3A_436 : vector<16xf32>
          %add3A_444 = arith.addf %scan3A_308, %mul3A_443 : vector<16xf32>
          scf.yield %add3A_323, %add3A_325, %add3A_340, %add3A_342, %add3A_357, %add3A_359, %add3A_374, %add3A_376, %add3A_391, %add3A_393, %add3A_408, %add3A_410, %add3A_425, %add3A_427, %add3A_442, %add3A_444 : vector<16xf32>, vector<16xf32>, vector<16xf32>, vector<16xf32>, vector<16xf32>, vector<16xf32>, vector<16xf32>, vector<16xf32>, vector<16xf32>, vector<16xf32>, vector<16xf32>, vector<16xf32>, vector<16xf32>, vector<16xf32>, vector<16xf32>, vector<16xf32>
        }
        %scan3A_164 = arith.constant 128 : i32
        %get3A = arith.constant 0 : index
        %get3A_165 = tpu.vector_load %arg15[%get3A] {strides = array<i32>} : memref<256xf32, #tpu.memory_space<vmem>>, vector<16xf32>,
        %get3A_166 = vector.shape_cast %get3A_165 : vector<16xf32> to vector<16xf32>
        %add3A_167 = arith.addf %get3A_166, %scan3A_163#0 : vector<16xf32>
        %swap3A_168 = arith.constant 0 : index
        %swap3A_169 = tpu.vector_load %arg15[%swap3A_168] {strides = array<i32>} : memref<256xf32, #tpu.memory_space<vmem>>, vector<16xf32>,
        %swap3A_170 = vector.shape_cast %swap3A_169 : vector<16xf32> to vector<16xf32>
        %swap3A_171 = vector.shape_cast %add3A_167 : vector<16xf32> to vector<16xf32>
        tpu.vector_store %arg15[%swap3A_168], %swap3A_171 {strides = array<i32>} : memref<256xf32, #tpu.memory_space<vmem>>, vector<16xf32>,
        %get3A_172 = arith.constant 128 : index
        %get3A_173 = tpu.vector_load %arg15[%get3A_172] {strides = array<i32>} : memref<256xf32, #tpu.memory_space<vmem>>, vector<16xf32>,
        %get3A_174 = vector.shape_cast %get3A_173 : vector<16xf32> to vector<16xf32>
        %add3A_175 = arith.addf %get3A_174, %scan3A_163#1 : vector<16xf32>
        %swap3A_176 = arith.constant 128 : index
        %swap3A_177 = tpu.vector_load %arg15[%swap3A_176] {strides = array<i32>} : memref<256xf32, #tpu.memory_space<vmem>>, vector<16xf32>,
        %swap3A_178 = vector.shape_cast %swap3A_177 : vector<16xf32> to vector<16xf32>
        %swap3A_179 = vector.shape_cast %add3A_175 : vector<16xf32> to vector<16xf32>
        tpu.vector_store %arg15[%swap3A_176], %swap3A_179 {strides = array<i32>} : memref<256xf32, #tpu.memory_space<vmem>>, vector<16xf32>,
        %get3A_180 = arith.constant 16 : index
        %get3A_181 = tpu.vector_load %arg15[%get3A_180] {strides = array<i32>} : memref<256xf32, #tpu.memory_space<vmem>>, vector<16xf32>,
        %get3A_182 = vector.shape_cast %get3A_181 : vector<16xf32> to vector<16xf32>
        %add3A_183 = arith.addf %get3A_182, %scan3A_163#2 : vector<16xf32>
        %swap3A_184 = arith.constant 16 : index
        %swap3A_185 = tpu.vector_load %arg15[%swap3A_184] {strides = array<i32>} : memref<256xf32, #tpu.memory_space<vmem>>, vector<16xf32>,
        %swap3A_186 = vector.shape_cast %swap3A_185 : vector<16xf32> to vector<16xf32>
        %swap3A_187 = vector.shape_cast %add3A_183 : vector<16xf32> to vector<16xf32>
        tpu.vector_store %arg15[%swap3A_184], %swap3A_187 {strides = array<i32>} : memref<256xf32, #tpu.memory_space<vmem>>, vector<16xf32>,
        %get3A_188 = arith.constant 144 : index
        %get3A_189 = tpu.vector_load %arg15[%get3A_188] {strides = array<i32>} : memref<256xf32, #tpu.memory_space<vmem>>, vector<16xf32>,
        %get3A_190 = vector.shape_cast %get3A_189 : vector<16xf32> to vector<16xf32>
        %add3A_191 = arith.addf %get3A_190, %scan3A_163#3 : vector<16xf32>
        %swap3A_192 = arith.constant 144 : index
        %swap3A_193 = tpu.vector_load %arg15[%swap3A_192] {strides = array<i32>} : memref<256xf32, #tpu.memory_space<vmem>>, vector<16xf32>,
        %swap3A_194 = vector.shape_cast %swap3A_193 : vector<16xf32> to vector<16xf32>
        %swap3A_195 = vector.shape_cast %add3A_191 : vector<16xf32> to vector<16xf32>
        tpu.vector_store %arg15[%swap3A_192], %swap3A_195 {strides = array<i32>} : memref<256xf32, #tpu.memory_space<vmem>>, vector<16xf32>,
        %get3A_196 = arith.constant 32 : index
        %get3A_197 = tpu.vector_load %arg15[%get3A_196] {strides = array<i32>} : memref<256xf32, #tpu.memory_space<vmem>>, vector<16xf32>,
        %get3A_198 = vector.shape_cast %get3A_197 : vector<16xf32> to vector<16xf32>
        %add3A_199 = arith.addf %get3A_198, %scan3A_163#4 : vector<16xf32>
        %swap3A_200 = arith.constant 32 : index
        %swap3A_201 = tpu.vector_load %arg15[%swap3A_200] {strides = array<i32>} : memref<256xf32, #tpu.memory_space<vmem>>, vector<16xf32>,
        %swap3A_202 = vector.shape_cast %swap3A_201 : vector<16xf32> to vector<16xf32>
        %swap3A_203 = vector.shape_cast %add3A_199 : vector<16xf32> to vector<16xf32>
        tpu.vector_store %arg15[%swap3A_200], %swap3A_203 {strides = array<i32>} : memref<256xf32, #tpu.memory_space<vmem>>, vector<16xf32>,
        %get3A_204 = arith.constant 160 : index
        %get3A_205 = tpu.vector_load %arg15[%get3A_204] {strides = array<i32>} : memref<256xf32, #tpu.memory_space<vmem>>, vector<16xf32>,
        %get3A_206 = vector.shape_cast %get3A_205 : vector<16xf32> to vector<16xf32>
        %add3A_207 = arith.addf %get3A_206, %scan3A_163#5 : vector<16xf32>
        %swap3A_208 = arith.constant 160 : index
        %swap3A_209 = tpu.vector_load %arg15[%swap3A_208] {strides = array<i32>} : memref<256xf32, #tpu.memory_space<vmem>>, vector<16xf32>,
        %swap3A_210 = vector.shape_cast %swap3A_209 : vector<16xf32> to vector<16xf32>
        %swap3A_211 = vector.shape_cast %add3A_207 : vector<16xf32> to vector<16xf32>
        tpu.vector_store %arg15[%swap3A_208], %swap3A_211 {strides = array<i32>} : memref<256xf32, #tpu.memory_space<vmem>>, vector<16xf32>,
        %get3A_212 = arith.constant 48 : index
        %get3A_213 = tpu.vector_load %arg15[%get3A_212] {strides = array<i32>} : memref<256xf32, #tpu.memory_space<vmem>>, vector<16xf32>,
        %get3A_214 = vector.shape_cast %get3A_213 : vector<16xf32> to vector<16xf32>
        %add3A_215 = arith.addf %get3A_214, %scan3A_163#6 : vector<16xf32>
        %swap3A_216 = arith.constant 48 : index
        %swap3A_217 = tpu.vector_load %arg15[%swap3A_216] {strides = array<i32>} : memref<256xf32, #tpu.memory_space<vmem>>, vector<16xf32>,
        %swap3A_218 = vector.shape_cast %swap3A_217 : vector<16xf32> to vector<16xf32>
        %swap3A_219 = vector.shape_cast %add3A_215 : vector<16xf32> to vector<16xf32>
        tpu.vector_store %arg15[%swap3A_216], %swap3A_219 {strides = array<i32>} : memref<256xf32, #tpu.memory_space<vmem>>, vector<16xf32>,
        %get3A_220 = arith.constant 176 : index
        %get3A_221 = tpu.vector_load %arg15[%get3A_220] {strides = array<i32>} : memref<256xf32, #tpu.memory_space<vmem>>, vector<16xf32>,
        %get3A_222 = vector.shape_cast %get3A_221 : vector<16xf32> to vector<16xf32>
        %add3A_223 = arith.addf %get3A_222, %scan3A_163#7 : vector<16xf32>
        %swap3A_224 = arith.constant 176 : index
        %swap3A_225 = tpu.vector_load %arg15[%swap3A_224] {strides = array<i32>} : memref<256xf32, #tpu.memory_space<vmem>>, vector<16xf32>,
        %swap3A_226 = vector.shape_cast %swap3A_225 : vector<16xf32> to vector<16xf32>
        %swap3A_227 = vector.shape_cast %add3A_223 : vector<16xf32> to vector<16xf32>
        tpu.vector_store %arg15[%swap3A_224], %swap3A_227 {strides = array<i32>} : memref<256xf32, #tpu.memory_space<vmem>>, vector<16xf32>,
        %get3A_228 = arith.constant 64 : index
        %get3A_229 = tpu.vector_load %arg15[%get3A_228] {strides = array<i32>} : memref<256xf32, #tpu.memory_space<vmem>>, vector<16xf32>,
        %get3A_230 = vector.shape_cast %get3A_229 : vector<16xf32> to vector<16xf32>
        %add3A_231 = arith.addf %get3A_230, %scan3A_163#8 : vector<16xf32>
        %swap3A_232 = arith.constant 64 : index
        %swap3A_233 = tpu.vector_load %arg15[%swap3A_232] {strides = array<i32>} : memref<256xf32, #tpu.memory_space<vmem>>, vector<16xf32>,
        %swap3A_234 = vector.shape_cast %swap3A_233 : vector<16xf32> to vector<16xf32>
        %swap3A_235 = vector.shape_cast %add3A_231 : vector<16xf32> to vector<16xf32>
        tpu.vector_store %arg15[%swap3A_232], %swap3A_235 {strides = array<i32>} : memref<256xf32, #tpu.memory_space<vmem>>, vector<16xf32>,
        %get3A_236 = arith.constant 192 : index
        %get3A_237 = tpu.vector_load %arg15[%get3A_236] {strides = array<i32>} : memref<256xf32, #tpu.memory_space<vmem>>, vector<16xf32>,
        %get3A_238 = vector.shape_cast %get3A_237 : vector<16xf32> to vector<16xf32>
        %add3A_239 = arith.addf %get3A_238, %scan3A_163#9 : vector<16xf32>
        %swap3A_240 = arith.constant 192 : index
        %swap3A_241 = tpu.vector_load %arg15[%swap3A_240] {strides = array<i32>} : memref<256xf32, #tpu.memory_space<vmem>>, vector<16xf32>,
        %swap3A_242 = vector.shape_cast %swap3A_241 : vector<16xf32> to vector<16xf32>
        %swap3A_243 = vector.shape_cast %add3A_239 : vector<16xf32> to vector<16xf32>
        tpu.vector_store %arg15[%swap3A_240], %swap3A_243 {strides = array<i32>} : memref<256xf32, #tpu.memory_space<vmem>>, vector<16xf32>,
        %get3A_244 = arith.constant 80 : index
        %get3A_245 = tpu.vector_load %arg15[%get3A_244] {strides = array<i32>} : memref<256xf32, #tpu.memory_space<vmem>>, vector<16xf32>,
        %get3A_246 = vector.shape_cast %get3A_245 : vector<16xf32> to vector<16xf32>
        %add3A_247 = arith.addf %get3A_246, %scan3A_163#10 : vector<16xf32>
        %swap3A_248 = arith.constant 80 : index
        %swap3A_249 = tpu.vector_load %arg15[%swap3A_248] {strides = array<i32>} : memref<256xf32, #tpu.memory_space<vmem>>, vector<16xf32>,
        %swap3A_250 = vector.shape_cast %swap3A_249 : vector<16xf32> to vector<16xf32>
        %swap3A_251 = vector.shape_cast %add3A_247 : vector<16xf32> to vector<16xf32>
        tpu.vector_store %arg15[%swap3A_248], %swap3A_251 {strides = array<i32>} : memref<256xf32, #tpu.memory_space<vmem>>, vector<16xf32>,
        %get3A_252 = arith.constant 208 : index
        %get3A_253 = tpu.vector_load %arg15[%get3A_252] {strides = array<i32>} : memref<256xf32, #tpu.memory_space<vmem>>, vector<16xf32>,
        %get3A_254 = vector.shape_cast %get3A_253 : vector<16xf32> to vector<16xf32>
        %add3A_255 = arith.addf %get3A_254, %scan3A_163#11 : vector<16xf32>
        %swap3A_256 = arith.constant 208 : index
        %swap3A_257 = tpu.vector_load %arg15[%swap3A_256] {strides = array<i32>} : memref<256xf32, #tpu.memory_space<vmem>>, vector<16xf32>,
        %swap3A_258 = vector.shape_cast %swap3A_257 : vector<16xf32> to vector<16xf32>
        %swap3A_259 = vector.shape_cast %add3A_255 : vector<16xf32> to vector<16xf32>
        tpu.vector_store %arg15[%swap3A_256], %swap3A_259 {strides = array<i32>} : memref<256xf32, #tpu.memory_space<vmem>>, vector<16xf32>,
        %get3A_260 = arith.constant 96 : index
        %get3A_261 = tpu.vector_load %arg15[%get3A_260] {strides = array<i32>} : memref<256xf32, #tpu.memory_space<vmem>>, vector<16xf32>,
        %get3A_262 = vector.shape_cast %get3A_261 : vector<16xf32> to vector<16xf32>
        %add3A_263 = arith.addf %get3A_262, %scan3A_163#12 : vector<16xf32>
        %swap3A_264 = arith.constant 96 : index
        %swap3A_265 = tpu.vector_load %arg15[%swap3A_264] {strides = array<i32>} : memref<256xf32, #tpu.memory_space<vmem>>, vector<16xf32>,
        %swap3A_266 = vector.shape_cast %swap3A_265 : vector<16xf32> to vector<16xf32>
        %swap3A_267 = vector.shape_cast %add3A_263 : vector<16xf32> to vector<16xf32>
        tpu.vector_store %arg15[%swap3A_264], %swap3A_267 {strides = array<i32>} : memref<256xf32, #tpu.memory_space<vmem>>, vector<16xf32>,
        %get3A_268 = arith.constant 224 : index
        %get3A_269 = tpu.vector_load %arg15[%get3A_268] {strides = array<i32>} : memref<256xf32, #tpu.memory_space<vmem>>, vector<16xf32>,
        %get3A_270 = vector.shape_cast %get3A_269 : vector<16xf32> to vector<16xf32>
        %add3A_271 = arith.addf %get3A_270, %scan3A_163#13 : vector<16xf32>
        %swap3A_272 = arith.constant 224 : index
        %swap3A_273 = tpu.vector_load %arg15[%swap3A_272] {strides = array<i32>} : memref<256xf32, #tpu.memory_space<vmem>>, vector<16xf32>,
        %swap3A_274 = vector.shape_cast %swap3A_273 : vector<16xf32> to vector<16xf32>
        %swap3A_275 = vector.shape_cast %add3A_271 : vector<16xf32> to vector<16xf32>
        tpu.vector_store %arg15[%swap3A_272], %swap3A_275 {strides = array<i32>} : memref<256xf32, #tpu.memory_space<vmem>>, vector<16xf32>,
        %get3A_276 = arith.constant 112 : index
        %get3A_277 = tpu.vector_load %arg15[%get3A_276] {strides = array<i32>} : memref<256xf32, #tpu.memory_space<vmem>>, vector<16xf32>,
        %get3A_278 = vector.shape_cast %get3A_277 : vector<16xf32> to vector<16xf32>
        %add3A_279 = arith.addf %get3A_278, %scan3A_163#14 : vector<16xf32>
        %swap3A_280 = arith.constant 112 : index
        %swap3A_281 = tpu.vector_load %arg15[%swap3A_280] {strides = array<i32>} : memref<256xf32, #tpu.memory_space<vmem>>, vector<16xf32>,
        %swap3A_282 = vector.shape_cast %swap3A_281 : vector<16xf32> to vector<16xf32>
        %swap3A_283 = vector.shape_cast %add3A_279 : vector<16xf32> to vector<16xf32>
        tpu.vector_store %arg15[%swap3A_280], %swap3A_283 {strides = array<i32>} : memref<256xf32, #tpu.memory_space<vmem>>, vector<16xf32>,
        %get3A_284 = arith.constant 240 : index
        %get3A_285 = tpu.vector_load %arg15[%get3A_284] {strides = array<i32>} : memref<256xf32, #tpu.memory_space<vmem>>, vector<16xf32>,
        %get3A_286 = vector.shape_cast %get3A_285 : vector<16xf32> to vector<16xf32>
        %add3A_287 = arith.addf %get3A_286, %scan3A_163#15 : vector<16xf32>
        %swap3A_288 = arith.constant 240 : index
        %swap3A_289 = tpu.vector_load %arg15[%swap3A_288] {strides = array<i32>} : memref<256xf32, #tpu.memory_space<vmem>>, vector<16xf32>,
        %swap3A_290 = vector.shape_cast %swap3A_289 : vector<16xf32> to vector<16xf32>
        %swap3A_291 = vector.shape_cast %add3A_287 : vector<16xf32> to vector<16xf32>
        tpu.vector_store %arg15[%swap3A_288], %swap3A_291 {strides = array<i32>} : memref<256xf32, #tpu.memory_space<vmem>>, vector<16xf32>,
        "tpu.region"() ({
          %run_scoped3A = tpu.sem_alloc : memref<!tpu.dma_semaphore, #tpu.memory_space<semaphore_mem>>
          %dma_start3A_292 = arith.constant 0 : i32
          %dma_start3A_293 = tpu.memref_slice %arg7[%add3A_107, %dma_start3A_292] : memref<102400x128xf32, #tpu.memory_space<hbm>> -> memref<128x128xf32, #tpu.memory_space<hbm>>
          %dma_start3A_294 = arith.constant 0 : i32
          %dma_start3A_295 = tpu.memref_slice %arg7[%add3A_107, %dma_start3A_294] : memref<102400x128xf32, #tpu.memory_space<hbm>> -> memref<128x128xf32, #tpu.memory_space<hbm>>
          tpu.enqueue_dma source(%arg12 : memref<128x128xf32, #tpu.memory_space<vmem>>) target(%dma_start3A_295 : memref<128x128xf32, #tpu.memory_space<hbm>>) target_semaphore(%run_scoped3A : memref<!tpu.dma_semaphore, #tpu.memory_space<semaphore_mem>>)
          %dma_wait3A_296 = arith.constant 0 : i32
          %dma_wait3A_297 = tpu.memref_slice %arg7[%add3A_107, %dma_wait3A_296] : memref<102400x128xf32, #tpu.memory_space<hbm>> -> memref<128x128xf32, #tpu.memory_space<hbm>>
          %dma_wait3A_298 = arith.constant 0 : i32
          %dma_wait3A_299 = tpu.memref_slice %arg7[%add3A_107, %dma_wait3A_298] : memref<102400x128xf32, #tpu.memory_space<hbm>> -> memref<128x128xf32, #tpu.memory_space<hbm>>
          tpu.wait_dma2 semaphore(%run_scoped3A : memref<!tpu.dma_semaphore, #tpu.memory_space<semaphore_mem>>) src(%arg12 : memref<128x128xf32, #tpu.memory_space<vmem>>) dst(%dma_wait3A_299 : memref<128x128xf32, #tpu.memory_space<hbm>>)
          tpu.yield
        }) : () -> ()
        "tpu.region"() ({
          %run_scoped3A = tpu.sem_alloc : memref<!tpu.dma_semaphore, #tpu.memory_space<semaphore_mem>>
          %dma_start3A_292 = arith.constant 0 : i32
          %dma_start3A_293 = tpu.memref_slice %arg8[%add3A_107, %dma_start3A_292] : memref<102400x128xf32, #tpu.memory_space<hbm>> -> memref<128x128xf32, #tpu.memory_space<hbm>>
          %dma_start3A_294 = arith.constant 0 : i32
          %dma_start3A_295 = tpu.memref_slice %arg8[%add3A_107, %dma_start3A_294] : memref<102400x128xf32, #tpu.memory_space<hbm>> -> memref<128x128xf32, #tpu.memory_space<hbm>>
          tpu.enqueue_dma source(%arg14 : memref<128x128xf32, #tpu.memory_space<vmem>>) target(%dma_start3A_295 : memref<128x128xf32, #tpu.memory_space<hbm>>) target_semaphore(%run_scoped3A : memref<!tpu.dma_semaphore, #tpu.memory_space<semaphore_mem>>)
          %dma_wait3A_296 = arith.constant 0 : i32
          %dma_wait3A_297 = tpu.memref_slice %arg8[%add3A_107, %dma_wait3A_296] : memref<102400x128xf32, #tpu.memory_space<hbm>> -> memref<128x128xf32, #tpu.memory_space<hbm>>
          %dma_wait3A_298 = arith.constant 0 : i32
          %dma_wait3A_299 = tpu.memref_slice %arg8[%add3A_107, %dma_wait3A_298] : memref<102400x128xf32, #tpu.memory_space<hbm>> -> memref<128x128xf32, #tpu.memory_space<hbm>>
          tpu.wait_dma2 semaphore(%run_scoped3A : memref<!tpu.dma_semaphore, #tpu.memory_space<semaphore_mem>>) src(%arg14 : memref<128x128xf32, #tpu.memory_space<vmem>>) dst(%dma_wait3A_299 : memref<128x128xf32, #tpu.memory_space<hbm>>)
          tpu.yield
        }) : () -> ()
      } else {
      }
      %scan3A_110 = arith.constant 0 : i32
      scf.yield %scan3A_110 : i32
    }
    %scan3A_102 = arith.constant 25 : i32
    "tpu.region"() ({
      %run_scoped3A = tpu.sem_alloc : memref<!tpu.dma_semaphore, #tpu.memory_space<semaphore_mem>>
      %dma_start3A = arith.constant 0 : i32
      %dma_start3A_103 = tpu.memref_slice %arg9[%add3A, %dma_start3A] : memref<32x256xf32, #tpu.memory_space<hbm>> -> memref<1x256xf32, #tpu.memory_space<hbm>>
      %dma_start3A_104 = tpu.memref_squeeze %dma_start3A_103 : memref<1x256xf32, #tpu.memory_space<hbm>> -> memref<256xf32, #tpu.memory_space<hbm>>
      %dma_start3A_105 = arith.constant 0 : i32
      %dma_start3A_106 = tpu.memref_slice %arg9[%add3A, %dma_start3A_105] : memref<32x256xf32, #tpu.memory_space<hbm>> -> memref<1x256xf32, #tpu.memory_space<hbm>>
      %dma_start3A_107 = tpu.memref_squeeze %dma_start3A_106 : memref<1x256xf32, #tpu.memory_space<hbm>> -> memref<256xf32, #tpu.memory_space<hbm>>
      tpu.enqueue_dma source(%arg15 : memref<256xf32, #tpu.memory_space<vmem>>) target(%dma_start3A_107 : memref<256xf32, #tpu.memory_space<hbm>>) target_semaphore(%run_scoped3A : memref<!tpu.dma_semaphore, #tpu.memory_space<semaphore_mem>>)
      %dma_wait3A = arith.constant 0 : i32
      %dma_wait3A_108 = tpu.memref_slice %arg9[%add3A, %dma_wait3A] : memref<32x256xf32, #tpu.memory_space<hbm>> -> memref<1x256xf32, #tpu.memory_space<hbm>>
      %dma_wait3A_109 = tpu.memref_squeeze %dma_wait3A_108 : memref<1x256xf32, #tpu.memory_space<hbm>> -> memref<256xf32, #tpu.memory_space<hbm>>
      %dma_wait3A_110 = arith.constant 0 : i32
      %dma_wait3A_111 = tpu.memref_slice %arg9[%add3A, %dma_wait3A_110] : memref<32x256xf32, #tpu.memory_space<hbm>> -> memref<1x256xf32, #tpu.memory_space<hbm>>
      %dma_wait3A_112 = tpu.memref_squeeze %dma_wait3A_111 : memref<1x256xf32, #tpu.memory_space<hbm>> -> memref<256xf32, #tpu.memory_space<hbm>>
      tpu.wait_dma2 semaphore(%run_scoped3A : memref<!tpu.dma_semaphore, #tpu.memory_space<semaphore_mem>>) src(%arg15 : memref<256xf32, #tpu.memory_space<vmem>>) dst(%dma_wait3A_112 : memref<256xf32, #tpu.memory_space<hbm>>)
      tpu.yield
    }) : () -> ()
    return
  }
}

module attributes {stable_mosaic.version = 14 : i64} {
  func.func @_mm_body(%arg0: i32, %arg1: memref<1000x128xf32, #tpu.memory_space<vmem>>, %arg2: memref<1000x128xf32, #tpu.memory_space<vmem>>, %arg3: memref<128x128xf32, #tpu.memory_space<vmem>>, %arg4: memref<128x128xf32, #tpu.memory_space<vmem>>, %arg5: memref<128x128xf32, #tpu.memory_space<vmem>>, %arg6: memref<128x128xf32, #tpu.memory_space<vmem>>, %arg7: memref<128x128xf32, #tpu.memory_space<vmem>>, %arg8: memref<1x128xf32, #tpu.memory_space<vmem>>, %arg9: memref<1x128xf32, #tpu.memory_space<vmem>>, %arg10: memref<1x128xf32, #tpu.memory_space<vmem>>, %arg11: memref<1000x128xf32, #tpu.memory_space<vmem>>, %arg12: memref<1000x128xf32, #tpu.memory_space<vmem>>, %arg13: memref<1000x128xf32, #tpu.memory_space<vmem>>) attributes {dimension_semantics = [#tpu.dimension_semantics<arbitrary>], iteration_bounds = array<i64: 100>, scalar_prefetch = 0 : i64, scratch_operands = 0 : i64, tpu.core_type = #tpu.core_type<tc>, window_params = [{transform_indices = @transform_0, window_bounds = array<i64: 1000, 128>}, {transform_indices = @transform_1, window_bounds = array<i64: 1000, 128>}, {pipeline_mode = #tpu.pipeline_mode<synchronous>, transform_indices = @transform_2, window_bounds = array<i64: 128, 128>}, {pipeline_mode = #tpu.pipeline_mode<synchronous>, transform_indices = @transform_3, window_bounds = array<i64: 128, 128>}, {pipeline_mode = #tpu.pipeline_mode<synchronous>, transform_indices = @transform_4, window_bounds = array<i64: 128, 128>}, {pipeline_mode = #tpu.pipeline_mode<synchronous>, transform_indices = @transform_5, window_bounds = array<i64: 128, 128>}, {pipeline_mode = #tpu.pipeline_mode<synchronous>, transform_indices = @transform_6, window_bounds = array<i64: 128, 128>}, {pipeline_mode = #tpu.pipeline_mode<synchronous>, transform_indices = @transform_7, window_bounds = array<i64: 1, 128>}, {pipeline_mode = #tpu.pipeline_mode<synchronous>, transform_indices = @transform_8, window_bounds = array<i64: 1, 128>}, {pipeline_mode = #tpu.pipeline_mode<synchronous>, transform_indices = @transform_9, window_bounds = array<i64: 1, 128>}, {transform_indices = @transform_10, window_bounds = array<i64: 1000, 128>}, {transform_indices = @transform_11, window_bounds = array<i64: 1000, 128>}, {transform_indices = @transform_12, window_bounds = array<i64: 1000, 128>}]} {
    %get3A = arith.constant 0 : index
    %get3A_0 = arith.constant 0 : index
    %get3A_1 = vector.load %arg1[%get3A, %get3A_0] : memref<1000x128xf32, #tpu.memory_space<vmem>>, vector<1000x128xf32>
    %get3A_2 = arith.constant 0 : index
    %get3A_3 = arith.constant 0 : index
    %get3A_4 = vector.load %arg2[%get3A_2, %get3A_3] : memref<1000x128xf32, #tpu.memory_space<vmem>>, vector<1000x128xf32>
    %get3A_5 = arith.constant 0 : index
    %get3A_6 = arith.constant 0 : index
    %get3A_7 = vector.load %arg3[%get3A_5, %get3A_6] : memref<128x128xf32, #tpu.memory_space<vmem>>, vector<128x128xf32>
    %dot_general3A = arith.constant dense<0.000000e+00> : vector<1000x128xf32>
    %dot_general3A_8 = tpu.matmul %get3A_1, %get3A_7, %dot_general3A {dimension_numbers = #tpu.dot_dimension_numbers<[1], [1], [0], [0], [0, 0, 1, 0], [], []>, transpose_lhs_hint = false} : vector<1000x128xf32>, vector<128x128xf32>, vector<1000x128xf32> -> vector<1000x128xf32>
    %get3A_9 = arith.constant 0 : index
    %get3A_10 = arith.constant 0 : index
    %get3A_11 = vector.load %arg4[%get3A_9, %get3A_10] : memref<128x128xf32, #tpu.memory_space<vmem>>, vector<128x128xf32>
    %dot_general3A_12 = arith.constant dense<0.000000e+00> : vector<1000x128xf32>
    %dot_general3A_13 = tpu.matmul %get3A_4, %get3A_11, %dot_general3A_12 {dimension_numbers = #tpu.dot_dimension_numbers<[1], [1], [0], [0], [0, 0, 1, 0], [], []>, transpose_lhs_hint = false} : vector<1000x128xf32>, vector<128x128xf32>, vector<1000x128xf32> -> vector<1000x128xf32>
    %add3A = arith.addf %dot_general3A_8, %dot_general3A_13 : vector<1000x128xf32>
    %get3A_14 = arith.constant 0 : index
    %get3A_15 = arith.constant 0 : index
    %get3A_16 = vector.load %arg8[%get3A_14, %get3A_15] : memref<1x128xf32, #tpu.memory_space<vmem>>, vector<1x128xf32>
    %add3A_17 = vector.broadcast %get3A_16 : vector<1x128xf32> to vector<1000x128xf32>
    %add3A_18 = arith.addf %add3A, %add3A_17 : vector<1000x128xf32>
    %swap3A = arith.constant 0 : index
    %swap3A_19 = arith.constant 0 : index
    %swap3A_20 = vector.load %arg11[%swap3A, %swap3A_19] : memref<1000x128xf32, #tpu.memory_space<vmem>>, vector<1000x128xf32>
    tpu.vector_store %arg11[%swap3A, %swap3A_19], %add3A_18 {strides = array<i32>} : memref<1000x128xf32, #tpu.memory_space<vmem>>, vector<1000x128xf32>,
    %get3A_21 = arith.constant 0 : index
    %get3A_22 = arith.constant 0 : index
    %get3A_23 = vector.load %arg5[%get3A_21, %get3A_22] : memref<128x128xf32, #tpu.memory_space<vmem>>, vector<128x128xf32>
    %dot_general3A_24 = arith.constant dense<0.000000e+00> : vector<1000x128xf32>
    %dot_general3A_25 = tpu.matmul %get3A_1, %get3A_23, %dot_general3A_24 {dimension_numbers = #tpu.dot_dimension_numbers<[1], [1], [0], [0], [0, 0, 1, 0], [], []>, transpose_lhs_hint = false} : vector<1000x128xf32>, vector<128x128xf32>, vector<1000x128xf32> -> vector<1000x128xf32>
    %get3A_26 = arith.constant 0 : index
    %get3A_27 = arith.constant 0 : index
    %get3A_28 = vector.load %arg6[%get3A_26, %get3A_27] : memref<128x128xf32, #tpu.memory_space<vmem>>, vector<128x128xf32>
    %dot_general3A_29 = arith.constant dense<0.000000e+00> : vector<1000x128xf32>
    %dot_general3A_30 = tpu.matmul %get3A_4, %get3A_28, %dot_general3A_29 {dimension_numbers = #tpu.dot_dimension_numbers<[1], [1], [0], [0], [0, 0, 1, 0], [], []>, transpose_lhs_hint = false} : vector<1000x128xf32>, vector<128x128xf32>, vector<1000x128xf32> -> vector<1000x128xf32>
    %add3A_31 = arith.addf %dot_general3A_25, %dot_general3A_30 : vector<1000x128xf32>
    %get3A_32 = arith.constant 0 : index
    %get3A_33 = arith.constant 0 : index
    %get3A_34 = vector.load %arg9[%get3A_32, %get3A_33] : memref<1x128xf32, #tpu.memory_space<vmem>>, vector<1x128xf32>
    %add3A_35 = vector.broadcast %get3A_34 : vector<1x128xf32> to vector<1000x128xf32>
    %add3A_36 = arith.addf %add3A_31, %add3A_35 : vector<1000x128xf32>
    %swap3A_37 = arith.constant 0 : index
    %swap3A_38 = arith.constant 0 : index
    %swap3A_39 = vector.load %arg12[%swap3A_37, %swap3A_38] : memref<1000x128xf32, #tpu.memory_space<vmem>>, vector<1000x128xf32>
    tpu.vector_store %arg12[%swap3A_37, %swap3A_38], %add3A_36 {strides = array<i32>} : memref<1000x128xf32, #tpu.memory_space<vmem>>, vector<1000x128xf32>,
    %get3A_40 = arith.constant 0 : index
    %get3A_41 = arith.constant 0 : index
    %get3A_42 = vector.load %arg7[%get3A_40, %get3A_41] : memref<128x128xf32, #tpu.memory_space<vmem>>, vector<128x128xf32>
    %dot_general3A_43 = arith.constant dense<0.000000e+00> : vector<1000x128xf32>
    %dot_general3A_44 = tpu.matmul %get3A_1, %get3A_42, %dot_general3A_43 {dimension_numbers = #tpu.dot_dimension_numbers<[1], [1], [0], [0], [0, 0, 1, 0], [], []>, transpose_lhs_hint = false} : vector<1000x128xf32>, vector<128x128xf32>, vector<1000x128xf32> -> vector<1000x128xf32>
    %get3A_45 = arith.constant 0 : index
    %get3A_46 = arith.constant 0 : index
    %get3A_47 = vector.load %arg10[%get3A_45, %get3A_46] : memref<1x128xf32, #tpu.memory_space<vmem>>, vector<1x128xf32>
    %add3A_48 = vector.broadcast %get3A_47 : vector<1x128xf32> to vector<1000x128xf32>
    %add3A_49 = arith.addf %dot_general3A_44, %add3A_48 : vector<1000x128xf32>
    %swap3A_50 = arith.constant 0 : index
    %swap3A_51 = arith.constant 0 : index
    %swap3A_52 = vector.load %arg13[%swap3A_50, %swap3A_51] : memref<1000x128xf32, #tpu.memory_space<vmem>>, vector<1000x128xf32>
    tpu.vector_store %arg13[%swap3A_50, %swap3A_51], %add3A_49 {strides = array<i32>} : memref<1000x128xf32, #tpu.memory_space<vmem>>, vector<1000x128xf32>,
    return
  }
  func.func @transform_0(%arg0: i32) -> (i32, i32) {
    %c0_i32 = arith.constant 0 : i32
    %c0_i32_0 = arith.constant 0 : i32
    return %arg0, %c0_i32 : i32, i32
  }
  func.func @transform_1(%arg0: i32) -> (i32, i32) {
    %c0_i32 = arith.constant 0 : i32
    %c0_i32_0 = arith.constant 0 : i32
    return %arg0, %c0_i32 : i32, i32
  }
  func.func @transform_2(%arg0: i32) -> (i32, i32) {
    %c0_i32 = arith.constant 0 : i32
    %c0_i32_0 = arith.constant 0 : i32
    %c0_i32_1 = arith.constant 0 : i32
    return %c0_i32, %c0_i32_0 : i32, i32
  }
  func.func @transform_3(%arg0: i32) -> (i32, i32) {
    %c0_i32 = arith.constant 0 : i32
    %c0_i32_0 = arith.constant 0 : i32
    %c0_i32_1 = arith.constant 0 : i32
    return %c0_i32, %c0_i32_0 : i32, i32
  }
  func.func @transform_4(%arg0: i32) -> (i32, i32) {
    %c0_i32 = arith.constant 0 : i32
    %c0_i32_0 = arith.constant 0 : i32
    %c0_i32_1 = arith.constant 0 : i32
    return %c0_i32, %c0_i32_0 : i32, i32
  }
  func.func @transform_5(%arg0: i32) -> (i32, i32) {
    %c0_i32 = arith.constant 0 : i32
    %c0_i32_0 = arith.constant 0 : i32
    %c0_i32_1 = arith.constant 0 : i32
    return %c0_i32, %c0_i32_0 : i32, i32
  }
  func.func @transform_6(%arg0: i32) -> (i32, i32) {
    %c0_i32 = arith.constant 0 : i32
    %c0_i32_0 = arith.constant 0 : i32
    %c0_i32_1 = arith.constant 0 : i32
    return %c0_i32, %c0_i32_0 : i32, i32
  }
  func.func @transform_7(%arg0: i32) -> (i32, i32) {
    %c0_i32 = arith.constant 0 : i32
    %c0_i32_0 = arith.constant 0 : i32
    %c0_i32_1 = arith.constant 0 : i32
    return %c0_i32, %c0_i32_0 : i32, i32
  }
  func.func @transform_8(%arg0: i32) -> (i32, i32) {
    %c0_i32 = arith.constant 0 : i32
    %c0_i32_0 = arith.constant 0 : i32
    %c0_i32_1 = arith.constant 0 : i32
    return %c0_i32, %c0_i32_0 : i32, i32
  }
  func.func @transform_9(%arg0: i32) -> (i32, i32) {
    %c0_i32 = arith.constant 0 : i32
    %c0_i32_0 = arith.constant 0 : i32
    %c0_i32_1 = arith.constant 0 : i32
    return %c0_i32, %c0_i32_0 : i32, i32
  }
  func.func @transform_10(%arg0: i32) -> (i32, i32) {
    %c0_i32 = arith.constant 0 : i32
    %c0_i32_0 = arith.constant 0 : i32
    return %arg0, %c0_i32 : i32, i32
  }
  func.func @transform_11(%arg0: i32) -> (i32, i32) {
    %c0_i32 = arith.constant 0 : i32
    %c0_i32_0 = arith.constant 0 : i32
    return %arg0, %c0_i32 : i32, i32
  }
  func.func @transform_12(%arg0: i32) -> (i32, i32) {
    %c0_i32 = arith.constant 0 : i32
    %c0_i32_0 = arith.constant 0 : i32
    return %arg0, %c0_i32 : i32, i32
  }
}

module attributes {stable_mosaic.version = 14 : i64} {
  func.func @_bn_body(%arg0: i32, %arg1: memref<512x128xf32, #tpu.memory_space<vmem>>, %arg2: memref<32x256xf32, #tpu.memory_space<vmem>>, %arg3: memref<1x128xf32, #tpu.memory_space<vmem>>, %arg4: memref<1x128xf32, #tpu.memory_space<vmem>>, %arg5: memref<1x128xf32, #tpu.memory_space<vmem>>, %arg6: memref<512x128xf32, #tpu.memory_space<vmem>>) attributes {dimension_semantics = [#tpu.dimension_semantics<arbitrary>], iteration_bounds = array<i64: 196>, scalar_prefetch = 0 : i64, scratch_operands = 0 : i64, tpu.core_type = #tpu.core_type<tc>, window_params = [{transform_indices = @transform_0, window_bounds = array<i64: 512, 128>}, {pipeline_mode = #tpu.pipeline_mode<synchronous>, transform_indices = @transform_1, window_bounds = array<i64: 32, 256>}, {pipeline_mode = #tpu.pipeline_mode<synchronous>, transform_indices = @transform_2, window_bounds = array<i64: 1, 128>}, {pipeline_mode = #tpu.pipeline_mode<synchronous>, transform_indices = @transform_3, window_bounds = array<i64: 1, 128>}, {pipeline_mode = #tpu.pipeline_mode<synchronous>, transform_indices = @transform_4, window_bounds = array<i64: 1, 128>}, {transform_indices = @transform_5, window_bounds = array<i64: 512, 128>}]} {
    %get3A = arith.constant 0 : index
    %get3A_0 = arith.constant 0 : index
    %get3A_1 = vector.load %arg2[%get3A, %get3A_0] : memref<32x256xf32, #tpu.memory_space<vmem>>, vector<32x256xf32>
    %get3A_2 = arith.constant 0 : index
    %get3A_3 = arith.constant 0 : index
    %get3A_4 = vector.load %arg3[%get3A_2, %get3A_3] : memref<1x128xf32, #tpu.memory_space<vmem>>, vector<1x128xf32>
    %slice3A = vector.extract_strided_slice %get3A_1 {offsets = [0, 0], sizes = [32, 128], strides = [1, 1]} : vector<32x256xf32> to vector<32x128xf32>
    %reduce_sum3A = arith.constant dense<0.000000e+00> : vector<128xf32>
    %reduce_sum3A_5 = vector.multi_reduction <add>, %slice3A, %reduce_sum3A [0] : vector<32x128xf32> to vector<128xf32>
    %broadcast_in_dim3A = vector.shape_cast %reduce_sum3A_5 : vector<128xf32> to vector<1x128xf32>
    %mul3A = arith.constant 9.600000e+01 : f32
    %mul3A_6 = vector.broadcast %mul3A : f32 to vector<1x128xf32>
    %mul3A_7 = arith.mulf %mul3A_6, %get3A_4 : vector<1x128xf32>
    %sub3A = arith.subf %broadcast_in_dim3A, %mul3A_7 : vector<1x128xf32>
    %slice3A_8 = vector.extract_strided_slice %get3A_1 {offsets = [0, 128], sizes = [32, 128], strides = [1, 1]} : vector<32x256xf32> to vector<32x128xf32>
    %reduce_sum3A_9 = arith.constant dense<0.000000e+00> : vector<128xf32>
    %reduce_sum3A_10 = vector.multi_reduction <add>, %slice3A_8, %reduce_sum3A_9 [0] : vector<32x128xf32> to vector<128xf32>
    %broadcast_in_dim3A_11 = vector.shape_cast %reduce_sum3A_10 : vector<128xf32> to vector<1x128xf32>
    %mul3A_12 = arith.constant 9.600000e+01 : f32
    %mul3A_13 = vector.broadcast %mul3A_12 : f32 to vector<1x128xf32>
    %mul3A_14 = arith.mulf %mul3A_13, %get3A_4 : vector<1x128xf32>
    %mul3A_15 = arith.mulf %mul3A_14, %get3A_4 : vector<1x128xf32>
    %sub3A_16 = arith.subf %broadcast_in_dim3A_11, %mul3A_15 : vector<1x128xf32>
    %div3A = arith.constant 1.000000e+05 : f32
    %div3A_17 = vector.broadcast %div3A : f32 to vector<1x128xf32>
    %div3A_18 = arith.divf %sub3A, %div3A_17 : vector<1x128xf32>
    %div3A_19 = arith.constant 1.000000e+05 : f32
    %div3A_20 = vector.broadcast %div3A_19 : f32 to vector<1x128xf32>
    %div3A_21 = arith.divf %sub3A_16, %div3A_20 : vector<1x128xf32>
    %mul3A_22 = arith.mulf %div3A_18, %div3A_18 : vector<1x128xf32>
    %sub3A_23 = arith.subf %div3A_21, %mul3A_22 : vector<1x128xf32>
    %add3A = arith.constant 9.99999974E-6 : f32
    %add3A_24 = vector.broadcast %add3A : f32 to vector<1x128xf32>
    %add3A_25 = arith.addf %sub3A_23, %add3A_24 : vector<1x128xf32>
    %rsqrt3A = math.rsqrt %add3A_25 : vector<1x128xf32>
    %get3A_26 = arith.constant 0 : index
    %get3A_27 = arith.constant 0 : index
    %get3A_28 = vector.load %arg4[%get3A_26, %get3A_27] : memref<1x128xf32, #tpu.memory_space<vmem>>, vector<1x128xf32>
    %mul3A_29 = arith.mulf %rsqrt3A, %get3A_28 : vector<1x128xf32>
    %mul3A_30 = arith.constant 512 : i32
    %mul3A_31 = arith.muli %arg0, %mul3A_30 : i32
    %iota3A = tpu.iota {dimensions = array<i32: 0>} : vector<512x128xi32>
    %add3A_32 = vector.broadcast %mul3A_31 : i32 to vector<512x128xi32>
    %add3A_33 = arith.addi %add3A_32, %iota3A : vector<512x128xi32>
    %get3A_34 = arith.constant 0 : index
    %get3A_35 = arith.constant 0 : index
    %get3A_36 = vector.load %arg1[%get3A_34, %get3A_35] : memref<512x128xf32, #tpu.memory_space<vmem>>, vector<512x128xf32>
    %sub3A_37 = vector.broadcast %div3A_18 : vector<1x128xf32> to vector<512x128xf32>
    %sub3A_38 = arith.subf %get3A_36, %sub3A_37 : vector<512x128xf32>
    %mul3A_39 = vector.broadcast %mul3A_29 : vector<1x128xf32> to vector<512x128xf32>
    %mul3A_40 = arith.mulf %sub3A_38, %mul3A_39 : vector<512x128xf32>
    %get3A_41 = arith.constant 0 : index
    %get3A_42 = arith.constant 0 : index
    %get3A_43 = vector.load %arg5[%get3A_41, %get3A_42] : memref<1x128xf32, #tpu.memory_space<vmem>>, vector<1x128xf32>
    %add3A_44 = vector.broadcast %get3A_43 : vector<1x128xf32> to vector<512x128xf32>
    %add3A_45 = arith.addf %mul3A_40, %add3A_44 : vector<512x128xf32>
    %max3A = arith.constant 0.000000e+00 : f32
    %max3A_46 = vector.broadcast %max3A : f32 to vector<512x128xf32>
    %max3A_47 = arith.maximumf %add3A_45, %max3A_46 : vector<512x128xf32>
    %lt3A = arith.constant 100000 : i32
    %lt3A_48 = vector.broadcast %lt3A : i32 to vector<512x128xi32>
    %lt3A_49 = arith.cmpi slt, %add3A_33, %lt3A_48 : vector<512x128xi32>
    %jit3A = arith.constant 0.000000e+00 : f32
    %broadcast_in_dim3A_50 = vector.broadcast %jit3A : f32 to vector<512x128xf32>
    %select_n3A = arith.select %lt3A_49, %max3A_47, %broadcast_in_dim3A_50 : vector<512x128xi1>, vector<512x128xf32>
    %swap3A = arith.constant 0 : index
    %swap3A_51 = arith.constant 0 : index
    %swap3A_52 = vector.load %arg6[%swap3A, %swap3A_51] : memref<512x128xf32, #tpu.memory_space<vmem>>, vector<512x128xf32>
    tpu.vector_store %arg6[%swap3A, %swap3A_51], %select_n3A {strides = array<i32>} : memref<512x128xf32, #tpu.memory_space<vmem>>, vector<512x128xf32>,
    return
  }
  func.func @transform_0(%arg0: i32) -> (i32, i32) {
    %c0_i32 = arith.constant 0 : i32
    %c0_i32_0 = arith.constant 0 : i32
    return %arg0, %c0_i32 : i32, i32
  }
  func.func @transform_1(%arg0: i32) -> (i32, i32) {
    %c0_i32 = arith.constant 0 : i32
    %c0_i32_0 = arith.constant 0 : i32
    %c0_i32_1 = arith.constant 0 : i32
    return %c0_i32, %c0_i32_0 : i32, i32
  }
  func.func @transform_2(%arg0: i32) -> (i32, i32) {
    %c0_i32 = arith.constant 0 : i32
    %c0_i32_0 = arith.constant 0 : i32
    %c0_i32_1 = arith.constant 0 : i32
    return %c0_i32, %c0_i32_0 : i32, i32
  }
  func.func @transform_3(%arg0: i32) -> (i32, i32) {
    %c0_i32 = arith.constant 0 : i32
    %c0_i32_0 = arith.constant 0 : i32
    %c0_i32_1 = arith.constant 0 : i32
    return %c0_i32, %c0_i32_0 : i32, i32
  }
  func.func @transform_4(%arg0: i32) -> (i32, i32) {
    %c0_i32 = arith.constant 0 : i32
    %c0_i32_0 = arith.constant 0 : i32
    %c0_i32_1 = arith.constant 0 : i32
    return %c0_i32, %c0_i32_0 : i32, i32
  }
  func.func @transform_5(%arg0: i32) -> (i32, i32) {
    %c0_i32 = arith.constant 0 : i32
    %c0_i32_0 = arith.constant 0 : i32
    return %arg0, %c0_i32 : i32, i32
  }
}

module attributes {stable_mosaic.version = 14 : i64} {
  func.func @_sig_body(%arg0: i32, %arg1: memref<800x128xf32, #tpu.memory_space<vmem>>, %arg2: memref<800x128xf32, #tpu.memory_space<vmem>>, %arg3: memref<800x128xf32, #tpu.memory_space<vmem>>, %arg4: memref<800x128xf32, #tpu.memory_space<vmem>>, %arg5: memref<2x128xf32, #tpu.memory_space<vmem>>) attributes {dimension_semantics = [#tpu.dimension_semantics<arbitrary>], iteration_bounds = array<i64: 125>, scalar_prefetch = 0 : i64, scratch_operands = 0 : i64, tpu.core_type = #tpu.core_type<tc>, window_params = [{transform_indices = @transform_0, window_bounds = array<i64: 800, 128>}, {transform_indices = @transform_1, window_bounds = array<i64: 800, 128>}, {transform_indices = @transform_2, window_bounds = array<i64: 800, 128>}, {transform_indices = @transform_3, window_bounds = array<i64: 800, 128>}, {pipeline_mode = #tpu.pipeline_mode<synchronous>, transform_indices = @transform_4, window_bounds = array<i64: 2, 128>}]} {
    %eq3A = arith.constant 0 : i32
    %eq3A_0 = arith.cmpi eq, %arg0, %eq3A : i32
    %convert_element_type3A = arith.extui %eq3A_0 : i1 to i32
    %cond3A = arith.constant 0 : i32
    %cond3A_1 = arith.cmpi ne, %convert_element_type3A, %cond3A : i32
    scf.if %cond3A_1 {
      %broadcast_in_dim3A = arith.constant 0.000000e+00 : f32
      %broadcast_in_dim3A_29 = vector.broadcast %broadcast_in_dim3A : f32 to vector<2x128xf32>
      %swap3A_30 = arith.constant 0 : index
      %swap3A_31 = arith.constant 0 : index
      %swap3A_32 = vector.load %arg5[%swap3A_30, %swap3A_31] : memref<2x128xf32, #tpu.memory_space<vmem>>, vector<2x128xf32>
      tpu.vector_store %arg5[%swap3A_30, %swap3A_31], %broadcast_in_dim3A_29 {strides = array<i32>} : memref<2x128xf32, #tpu.memory_space<vmem>>, vector<2x128xf32>,
    } else {
    }
    %get3A = arith.constant 0 : index
    %get3A_2 = arith.constant 0 : index
    %get3A_3 = vector.load %arg1[%get3A, %get3A_2] : memref<800x128xf32, #tpu.memory_space<vmem>>, vector<800x128xf32>
    %get3A_4 = arith.constant 0 : index
    %get3A_5 = arith.constant 0 : index
    %get3A_6 = vector.load %arg2[%get3A_4, %get3A_5] : memref<800x128xf32, #tpu.memory_space<vmem>>, vector<800x128xf32>
    %add3A = arith.addf %get3A_3, %get3A_6 : vector<800x128xf32>
    %logistic3A = arith.negf %add3A : vector<800x128xf32>
    %logistic3A_7 = math.exp %logistic3A : vector<800x128xf32>
    %logistic3A_8 = arith.constant 1.000000e+00 : f32
    %logistic3A_9 = vector.broadcast %logistic3A_8 : f32 to vector<800x128xf32>
    %logistic3A_10 = arith.addf %logistic3A_9, %logistic3A_7 : vector<800x128xf32>
    %logistic3A_11 = arith.divf %logistic3A_9, %logistic3A_10 : vector<800x128xf32>
    %swap3A = arith.constant 0 : index
    %swap3A_12 = arith.constant 0 : index
    %swap3A_13 = vector.load %arg4[%swap3A, %swap3A_12] : memref<800x128xf32, #tpu.memory_space<vmem>>, vector<800x128xf32>
    tpu.vector_store %arg4[%swap3A, %swap3A_12], %logistic3A_11 {strides = array<i32>} : memref<800x128xf32, #tpu.memory_space<vmem>>, vector<800x128xf32>,
    %reduce_sum3A = arith.constant dense<0.000000e+00> : vector<128xf32>
    %reduce_sum3A_14 = vector.multi_reduction <add>, %logistic3A_11, %reduce_sum3A [0] : vector<800x128xf32> to vector<128xf32>
    %get3A_15 = arith.constant 0 : index
    %get3A_16 = arith.constant 0 : index
    %get3A_17 = vector.load %arg3[%get3A_15, %get3A_16] : memref<800x128xf32, #tpu.memory_space<vmem>>, vector<800x128xf32>
    %mul3A = arith.mulf %logistic3A_11, %get3A_17 : vector<800x128xf32>
    %reduce_sum3A_18 = arith.constant dense<0.000000e+00> : vector<128xf32>
    %reduce_sum3A_19 = vector.multi_reduction <add>, %mul3A, %reduce_sum3A_18 [0] : vector<800x128xf32> to vector<128xf32>
    %get3A_20 = arith.constant 0 : index
    %get3A_21 = arith.constant 0 : index
    %get3A_22 = vector.load %arg5[%get3A_20, %get3A_21] : memref<2x128xf32, #tpu.memory_space<vmem>>, vector<2x128xf32>
    %stack3A = vector.shape_cast %reduce_sum3A_14 : vector<128xf32> to vector<1x128xf32>
    %stack3A_23 = vector.shape_cast %reduce_sum3A_19 : vector<128xf32> to vector<1x128xf32>
    %stack3A_24 = tpu.concatenate %stack3A, %stack3A_23 in 0 : vector<1x128xf32>, vector<1x128xf32> -> vector<2x128xf32>
    %add3A_25 = arith.addf %get3A_22, %stack3A_24 : vector<2x128xf32>
    %swap3A_26 = arith.constant 0 : index
    %swap3A_27 = arith.constant 0 : index
    %swap3A_28 = vector.load %arg5[%swap3A_26, %swap3A_27] : memref<2x128xf32, #tpu.memory_space<vmem>>, vector<2x128xf32>
    tpu.vector_store %arg5[%swap3A_26, %swap3A_27], %add3A_25 {strides = array<i32>} : memref<2x128xf32, #tpu.memory_space<vmem>>, vector<2x128xf32>,
    return
  }
  func.func @transform_0(%arg0: i32) -> (i32, i32) {
    %c0_i32 = arith.constant 0 : i32
    %c0_i32_0 = arith.constant 0 : i32
    return %arg0, %c0_i32 : i32, i32
  }
  func.func @transform_1(%arg0: i32) -> (i32, i32) {
    %c0_i32 = arith.constant 0 : i32
    %c0_i32_0 = arith.constant 0 : i32
    return %arg0, %c0_i32 : i32, i32
  }
  func.func @transform_2(%arg0: i32) -> (i32, i32) {
    %c0_i32 = arith.constant 0 : i32
    %c0_i32_0 = arith.constant 0 : i32
    return %arg0, %c0_i32 : i32, i32
  }
  func.func @transform_3(%arg0: i32) -> (i32, i32) {
    %c0_i32 = arith.constant 0 : i32
    %c0_i32_0 = arith.constant 0 : i32
    return %arg0, %c0_i32 : i32, i32
  }
  func.func @transform_4(%arg0: i32) -> (i32, i32) {
    %c0_i32 = arith.constant 0 : i32
    %c0_i32_0 = arith.constant 0 : i32
    %c0_i32_1 = arith.constant 0 : i32
    return %c0_i32, %c0_i32_0 : i32, i32
  }
}

module attributes {stable_mosaic.version = 14 : i64} {
  func.func @_final_body(%arg0: i32, %arg1: memref<800x128xf32, #tpu.memory_space<vmem>>, %arg2: memref<800x128xf32, #tpu.memory_space<vmem>>, %arg3: memref<2x128xf32, #tpu.memory_space<vmem>>, %arg4: memref<128x128xf32, #tpu.memory_space<vmem>>, %arg5: memref<1x128xf32, #tpu.memory_space<vmem>>, %arg6: memref<800x128xf32, #tpu.memory_space<vmem>>, %arg7: memref<800x128xf32, #tpu.memory_space<vmem>>) attributes {dimension_semantics = [#tpu.dimension_semantics<arbitrary>], iteration_bounds = array<i64: 125>, scalar_prefetch = 0 : i64, scratch_operands = 0 : i64, tpu.core_type = #tpu.core_type<tc>, window_params = [{transform_indices = @transform_0, window_bounds = array<i64: 800, 128>}, {transform_indices = @transform_1, window_bounds = array<i64: 800, 128>}, {pipeline_mode = #tpu.pipeline_mode<synchronous>, transform_indices = @transform_2, window_bounds = array<i64: 2, 128>}, {pipeline_mode = #tpu.pipeline_mode<synchronous>, transform_indices = @transform_3, window_bounds = array<i64: 128, 128>}, {pipeline_mode = #tpu.pipeline_mode<synchronous>, transform_indices = @transform_4, window_bounds = array<i64: 1, 128>}, {transform_indices = @transform_5, window_bounds = array<i64: 800, 128>}, {transform_indices = @transform_6, window_bounds = array<i64: 800, 128>}]} {
    %get3A = arith.constant 0 : index
    %get3A_0 = arith.constant 0 : index
    %get3A_1 = vector.load %arg3[%get3A, %get3A_0] : memref<2x128xf32, #tpu.memory_space<vmem>>, vector<1x128xf32>
    %add3A = arith.constant 9.99999974E-6 : f32
    %add3A_2 = vector.broadcast %add3A : f32 to vector<1x128xf32>
    %add3A_3 = arith.addf %get3A_1, %add3A_2 : vector<1x128xf32>
    %div3A = arith.constant 1.000000e+00 : f32
    %div3A_4 = vector.broadcast %div3A : f32 to vector<1x128xf32>
    %div3A_5 = arith.divf %div3A_4, %add3A_3 : vector<1x128xf32>
    %get3A_6 = arith.constant 0 : index
    %get3A_7 = arith.constant 0 : index
    %get3A_8 = vector.load %arg2[%get3A_6, %get3A_7] : memref<800x128xf32, #tpu.memory_space<vmem>>, vector<800x128xf32>
    %mul3A = vector.broadcast %div3A_5 : vector<1x128xf32> to vector<800x128xf32>
    %mul3A_9 = arith.mulf %get3A_8, %mul3A : vector<800x128xf32>
    %swap3A = arith.constant 0 : index
    %swap3A_10 = arith.constant 0 : index
    %swap3A_11 = vector.load %arg7[%swap3A, %swap3A_10] : memref<800x128xf32, #tpu.memory_space<vmem>>, vector<800x128xf32>
    tpu.vector_store %arg7[%swap3A, %swap3A_10], %mul3A_9 {strides = array<i32>} : memref<800x128xf32, #tpu.memory_space<vmem>>, vector<800x128xf32>,
    %get3A_12 = arith.constant 0 : index
    %get3A_13 = arith.constant 0 : index
    %get3A_14 = vector.load %arg1[%get3A_12, %get3A_13] : memref<800x128xf32, #tpu.memory_space<vmem>>, vector<800x128xf32>
    %get3A_15 = arith.constant 0 : index
    %get3A_16 = arith.constant 0 : index
    %get3A_17 = vector.load %arg4[%get3A_15, %get3A_16] : memref<128x128xf32, #tpu.memory_space<vmem>>, vector<128x128xf32>
    %dot_general3A = arith.constant dense<0.000000e+00> : vector<800x128xf32>
    %dot_general3A_18 = tpu.matmul %get3A_14, %get3A_17, %dot_general3A {dimension_numbers = #tpu.dot_dimension_numbers<[1], [1], [0], [0], [0, 0, 1, 0], [], []>, transpose_lhs_hint = false} : vector<800x128xf32>, vector<128x128xf32>, vector<800x128xf32> -> vector<800x128xf32>
    %get3A_19 = arith.constant 0 : index
    %get3A_20 = arith.constant 0 : index
    %get3A_21 = vector.load %arg5[%get3A_19, %get3A_20] : memref<1x128xf32, #tpu.memory_space<vmem>>, vector<1x128xf32>
    %add3A_22 = vector.broadcast %get3A_21 : vector<1x128xf32> to vector<800x128xf32>
    %add3A_23 = arith.addf %dot_general3A_18, %add3A_22 : vector<800x128xf32>
    %get3A_24 = arith.constant 1 : index
    %get3A_25 = arith.constant 0 : index
    %get3A_26 = vector.load %arg3[%get3A_24, %get3A_25] : memref<2x128xf32, #tpu.memory_space<vmem>>, vector<1x128xf32>
    %mul3A_27 = arith.mulf %get3A_26, %div3A_5 : vector<1x128xf32>
    %add3A_28 = vector.broadcast %mul3A_27 : vector<1x128xf32> to vector<800x128xf32>
    %add3A_29 = arith.addf %add3A_23, %add3A_28 : vector<800x128xf32>
    %max3A = arith.constant 0.000000e+00 : f32
    %max3A_30 = vector.broadcast %max3A : f32 to vector<800x128xf32>
    %max3A_31 = arith.maximumf %add3A_29, %max3A_30 : vector<800x128xf32>
    %swap3A_32 = arith.constant 0 : index
    %swap3A_33 = arith.constant 0 : index
    %swap3A_34 = vector.load %arg6[%swap3A_32, %swap3A_33] : memref<800x128xf32, #tpu.memory_space<vmem>>, vector<800x128xf32>
    tpu.vector_store %arg6[%swap3A_32, %swap3A_33], %max3A_31 {strides = array<i32>} : memref<800x128xf32, #tpu.memory_space<vmem>>, vector<800x128xf32>,
    return
  }
  func.func @transform_0(%arg0: i32) -> (i32, i32) {
    %c0_i32 = arith.constant 0 : i32
    %c0_i32_0 = arith.constant 0 : i32
    return %arg0, %c0_i32 : i32, i32
  }
  func.func @transform_1(%arg0: i32) -> (i32, i32) {
    %c0_i32 = arith.constant 0 : i32
    %c0_i32_0 = arith.constant 0 : i32
    return %arg0, %c0_i32 : i32, i32
  }
  func.func @transform_2(%arg0: i32) -> (i32, i32) {
    %c0_i32 = arith.constant 0 : i32
    %c0_i32_0 = arith.constant 0 : i32
    %c0_i32_1 = arith.constant 0 : i32
    return %c0_i32, %c0_i32_0 : i32, i32
  }
  func.func @transform_3(%arg0: i32) -> (i32, i32) {
    %c0_i32 = arith.constant 0 : i32
    %c0_i32_0 = arith.constant 0 : i32
    %c0_i32_1 = arith.constant 0 : i32
    return %c0_i32, %c0_i32_0 : i32, i32
  }
  func.func @transform_4(%arg0: i32) -> (i32, i32) {
    %c0_i32 = arith.constant 0 : i32
    %c0_i32_0 = arith.constant 0 : i32
    %c0_i32_1 = arith.constant 0 : i32
    return %c0_i32, %c0_i32_0 : i32, i32
  }
  func.func @transform_5(%arg0: i32) -> (i32, i32) {
    %c0_i32 = arith.constant 0 : i32
    %c0_i32_0 = arith.constant 0 : i32
    return %arg0, %c0_i32 : i32, i32
  }
  func.func @transform_6(%arg0: i32) -> (i32, i32) {
    %c0_i32 = arith.constant 0 : i32
    %c0_i32_0 = arith.constant 0 : i32
    return %arg0, %c0_i32 : i32, i32
  }
}

</mosaic_0001>

<sc_bundles>
// kernel: kernel.12.cloned.1.call-start
scs
__scs_entry_jumppad:
0x0: {  	(pc) =	sbr.rel $0x88, $3  }
0x1: {  	(tag) =	ssettag $0x0;
	lr =	simm.s32 $0x1  }
0x2: {  	[smem:$0x3F90] =	sst lr;
	_ =	strace $0xD0000000  }
0x3: {  	_ = 	snop  }
0x4: {  	_ = 	snop  }
0x5: {  	_ = 	snop  }
0x6: {  	_ = 	snop  }
0x7: {  	_ = 	snop  }
__scs_overlays_trampoline_lowered:
0x8: {  	[smem:$0x3F9F] =	sst s0  }
0x9: {  	[smem:$0x3FA0] =	sst s1  }
0xa: {  	[smem:$0x3FA1] =	sst s2  }
0xb: {  	[smem:$0x3FA2] =	sst s3  }
0xc: {  	[smem:$0x3FA3] =	sst s4  }
0xd: {  	[smem:$0x3FA4] =	sst s5  }
0xe: {  	[smem:$0x3FA5] =	sst s6  }
0xf: {  	[smem:$0x3FA6] =	sst s7  }
0x10: {  	[smem:$0x3FA7] =	sst s8  }
0x11: {  	[smem:$0x3FA8] =	sst s9;
	s0 =	simm.s32 @!p0 $0x0  }
0x12: {  	s1 =	sld [smem:$0x3F8E];
	s0 =	simm.s32 @p0 $0x1  }
0x13: {  	[smem:$0x3FA9] =	sst s0;
	s0 =	simm.s32 @!p1 $0x0  }
0x14: {  	s2 =	sld [smem:$0x3F8D];
	s0 =	simm.s32 @p1 $0x1  }
0x15: {  	[smem:$0x3FAA] =	sst s0;
	s0 =	simm.s32 @!p2 $0x0  }
0x16: {  	s3 =	sld [smem:$0x3FDB];
	s0 =	simm.s32 @p2 $0x1  }
0x17: {  	s4 =	simm.s32 $0x1BF5;
	[smem:$0x3FAC] =	sst s0  }
0x18: {  	s0 =	sld [smem:$0x3F8F];
	_ =	swait.ge [sflag:s4], $0x0  }
0x19: {  	s7 =	sld [smem:$0x3F90]  }
0x1a: {  	s8 =	sadd.s32 $0xFFFFE003, lr  }
0x1b: {  	s9 =	sadd.s32 $0xFFFFFEF7, lr;
	s5 =	simm.s32 $0xFFFFFFFF;
	p2 =	slt.u32 s8, $0xFFFFF086  }
0x1c: {  	p1 =	slt.u32 s9, $0xF7A;
	s5 =	simm.s32 @!p2 $0x0  }
0x1d: {  	s5 =	simm.s32 @p1 $0x1;
	p0 =	seq.s32 s7, s2  }
0x1e: {  	s7 =	smul.u32 @!p0 $0xF7A, s2;
	p2 =	seq.s32 @!p0 s5, $0x0  }
0x1f: {  	s9 =	smul.u32 $0xF7A, s1;
	s8 =	simm.s32 @!p0 $0x1BF5;
	p2 =	por !p2, p0  }
0x20: {  	[sflag:s8] =	ssyncset.s32 @!p0 $0xFFFFF086;
	s6 =	sadd.s32 @!p0 s3, s7;
	s7 =	simm.s32 @!p0 $0x108  }
0x21: {  	s3 =	sadd.s32 s3, s9;
	s6 =	sadd.s32 @!p0 $0x88, s6;
	s7 =	simm.s32 @p2 $0x1082  }
0x22: {  	[simem:s7], [sflag:s8] =	dma.local @!p0 [hbm:s6], $0xF7A  }
0x23: {  	s9 =	sor.u32 $0xD0000000, s2;
	s6 =	simm.s32 $0x108;
	_ =	swait.ge @!p0 [sflag:s8], $0x0  }
0x24: {  	s3 =	sadd.s32 $0x88, s3;
	s6 =	simm.s32 @!p1 $0x1082;
	[sflag:s4] =	ssyncset.s32 $0xFFFFF086  }
0x25: {  	[simem:s6], [sflag:s4] =	dma.local [hbm:s3], $0xF7A  }
0x26: {  	[smem:$0x3F90] =	sst s1;
	(tag) =	ssettag s2;
	_ =	strace s9  }
0x27: {  	s1 =	sld [smem:$0x3FA0]  }
0x28: {  	s2 =	sld [smem:$0x3FA1]  }
0x29: {  	s4 =	sld [smem:$0x3FA3]  }
0x2a: {  	p0 =	seq.s32 s5, $0x0;
	s5 =	sld [smem:$0x3FA4]  }
0x2b: {  	s6 =	sld [smem:$0x3FA5]  }
0x2c: {  	s7 =	sld [smem:$0x3FA6]  }
0x2d: {  	s3 =	simm.s32 $0x108;
	s8 =	sld [smem:$0x3FA7]  }
0x2e: {  	s3 =	simm.s32 @!p0 $0x1082;
	s9 =	sld [smem:$0x3FA8]  }
0x2f: {  	lr =	sadd.s32 s0, s3;
	s0 =	sld [smem:$0x3F9F]  }
0x30: {  	s3 =	sld [smem:$0x3FA2]  }
0x31: {  	[smem:$0x3FAB] =	sst s10  }
0x32: {  	s10 =	sld [smem:$0x3FA9];
	_ =	sdelay $0x3  }
0x33: {  	p0 =	seq.s32 s10, $0x1;
	s10 =	sld [smem:$0x3FAB];
	_ =	sdelay $0x3  }
0x34: {  	[smem:$0x3FAB] =	sst s10  }
0x35: {  	s10 =	sld [smem:$0x3FAA];
	_ =	sdelay $0x3  }
0x36: {  	p1 =	seq.s32 s10, $0x1;
	s10 =	sld [smem:$0x3FAB];
	_ =	sdelay $0x3  }
0x37: {  	[smem:$0x3FAB] =	sst s10  }
0x38: {  	s10 =	sld [smem:$0x3FAC]  }
0x39: {  	_ = 	snop;
	(pc) =	sbr.ind lr, $3  }
0x3a: {  	_ = 	snop  }
0x3b: {  	_ = 	snop  }
0x3c: {  	p2 =	seq.s32 s10, $0x1;
	s10 =	sld [smem:$0x3FAB]  }
0x3d: {  	_ =	shalt  }
0x3e: {  	_ =	shalt  }
0x3f: {  	_ =	shalt  }
0x40: {  	_ =	shalt  }
0x41: {  	_ =	shalt  }
0x42: {  	_ =	shalt  }
0x43: {  	_ =	shalt  }
0x44: {  	_ =	shalt  }
0x45: {  	_ =	shalt  }
0x46: {  	_ =	shalt  }
0x47: {  	_ =	shalt  }
0x48: {  	_ =	shalt  }
0x49: {  	_ =	shalt  }
0x4a: {  	_ =	shalt  }
0x4b: {  	_ =	shalt  }
0x4c: {  	_ =	shalt  }
0x4d: {  	_ =	shalt  }
0x4e: {  	_ =	shalt  }
0x4f: {  	_ =	shalt  }
0x50: {  	_ =	shalt  }
0x51: {  	_ =	shalt  }
0x52: {  	_ =	shalt  }
0x53: {  	_ =	shalt  }
0x54: {  	_ =	shalt  }
0x55: {  	_ =	shalt  }
0x56: {  	_ =	shalt  }
0x57: {  	_ =	shalt  }
0x58: {  	_ =	shalt  }
0x59: {  	_ =	shalt  }
0x5a: {  	_ =	shalt  }
0x5b: {  	_ =	shalt  }
0x5c: {  	_ =	shalt  }
0x5d: {  	_ =	shalt  }
0x5e: {  	_ =	shalt  }
0x5f: {  	_ =	shalt  }
0x60: {  	_ =	shalt  }
0x61: {  	_ =	shalt  }
0x62: {  	_ =	shalt  }
0x63: {  	_ =	shalt  }
0x64: {  	_ =	shalt  }
0x65: {  	_ =	shalt  }
0x66: {  	_ =	shalt  }
0x67: {  	_ =	shalt  }
0x68: {  	_ =	shalt  }
0x69: {  	_ =	shalt  }
0x6a: {  	_ =	shalt  }
0x6b: {  	_ =	shalt  }
0x6c: {  	_ =	shalt  }
0x6d: {  	_ =	shalt  }
0x6e: {  	_ =	shalt  }
0x6f: {  	_ =	shalt  }
0x70: {  	_ =	shalt  }
0x71: {  	_ =	shalt  }
0x72: {  	_ =	shalt  }
0x73: {  	_ =	shalt  }
0x74: {  	_ =	shalt  }
0x75: {  	_ =	shalt  }
0x76: {  	_ =	shalt  }
0x77: {  	_ =	shalt  }
0x78: {  	_ =	shalt  }
0x79: {  	_ =	shalt  }
0x7a: {  	_ =	shalt  }
0x7b: {  	_ =	shalt  }
0x7c: {  	_ =	shalt  }
0x7d: {  	_ =	shalt  }
0x7e: {  	_ =	shalt  }
0x7f: {  	_ =	shalt  }
0x80: {  	_ =	shalt  }
0x81: {  	_ =	shalt  }
0x82: {  	_ =	shalt  }
0x83: {  	_ =	shalt  }
0x84: {  	_ =	shalt  }
0x85: {  	_ =	shalt  }
0x86: {  	_ =	shalt  }
0x87: {  	_ =	shalt  }
.Lfunc_end0:
.L_simem_size_0:
called_computation.1_lowered:
.L_overlay_start_0:
0x88: {  	s2 =	sld [smem:$0x3FD9]  }
0x89: {  	s3 =	sld [smem:$0x3FFE];
	_ =	sdelay $0x1  }
0x8a: {  	s1 =	srdreg.scid  }
0x8b: {  	s0 =	sand.u32 $0x1, s1  }
0x8c: {  	s14 =	sshll.u32 s0, $0xA;
	s2 =	sadd.s32 s3, s2  }
0x8d: {  	s2 =	sadd.s32 s2, s14  }
0x8e: {  	[smem:$0x3FB7] =	sst s2  }
0x8f: {  	_ = 	snop  }
0x90: {  	s2 =	sld [smem:$0x3FD0];
	_ =	sdelay $0x2  }
0x91: {  	s15 =	simm.s32 $0xB;
	s4 =	simm.s32 $0x10  }
0x92: {  	[smem:s4], [sflag:s15] =	dma.local [hbm:s2], $0x1  }
0x93: {  	_ =	swait.eq [sflag:s15], $0x1  }
0x94: {  	[sflag:s15] =	ssyncset.done $0x0  }
0x95: {  	s16 =	sld [smem:$0x10];
	[sflag:s15] =	ssyncadd.s32 $0xFFFFFFFF  }
0x96: {  	s17 =	sld [smem:$0x11];
	(tm) =	ssettm $0x1  }
0x97: {  	s18 =	sld [smem:$0x3FFB];
	_ =	sdelay $0x3  }
0x98: {  	_ =	strace s18  }
0x99: {  	s4 =	sld [smem:$0x3FFC];
	_ =	sdelay $0x3  }
0x9a: {  	_ =	strace s4  }
0x9b: {  	s4 =	sld [smem:$0x3FFD];
	_ =	sdelay $0x3  }
0x9c: {  	_ =	strace s4  }
0x9d: {  	_ =	strace $0x8FFFFFFF  }
0x9e: {  	s19 =	sld [smem:$0x3FDB];
	_ =	sdelay $0x1  }
0x9f: {  	s5 =	simm.s32 $_scs_section_size  }
0xa0: {  	s6 =	simm.s32 $_size__tile_overlayer_lowered;
	s7 =	simm.s32 $_tile_overlayer_lowered  }
0xa1: {  	s22 =	simm.s32 $0x1BFF;
	s21 =	sshll.u32 s7, $0x1;
	s4 =	sadd.s32 s5, s19  }
0xa2: {  	s8 =	simm.s32 $0x0;
	s20 =	sshll.u32 s6, $0x1;
	s6 =	sadd.s32 s21, s4  }
0xa3: {  	[timem:s8], [sflag:s22] =	dma.local [hbm:s6], s20  }
0xa4: {  	_ =	swait.ge [sflag:s22], s20  }
0xa5: {  	s5 =	ssub.s32 $0x0, s20;
	[sflag:s22] =	ssyncset.done $0x0  }
0xa6: {  	[sflag:s22] =	ssyncadd.s32 s5;
	_ =	sdelay $0x1  }
0xa7: {  	s23 =	simm.s32 $0x1B8B  }
0xa8: {  	_ =	swait.ge [sflag:s23], $0x1  }
0xa9: {  	[sflag:s23] =	ssyncset.done $0x0  }
0xaa: {  	s25 =	simm.s32 $0x1B8E;
	s24 =	sld [smem:$0x3FFE];
	[sflag:s23] =	ssyncadd.s32 $0xFFFFFFFF  }
0xab: {  	s26 =	simm.s32 $execute0_lowered;
	[smem:$0x3FD2] =	sst s25  }
0xac: {  	s6 =	sshll.u32 s26, $0x1;
	_ =	strace $0x80000046;
	[dreg:$0x1] =	wrdreg $0xFFFFFFFF  }
0xad: {  	s28 =	simm.s32 $_size_execute0_lowered;
	s4 =	sadd.s32 s4, s6;
	[dreg:$0x0] =	wrdreg $0x0  }
0xae: {  	s6 =	sshll.u32 s28, $0x1;
	[dreg:$0x2] =	wrdreg s4  }
0xaf: {  	[dreg:$0x3] =	wrdreg s6  }
0xb0: {  	[dreg:$0x4] =	wrdreg $0xC0  }
0xb1: {  	_ =	task [dreg:s8], $0x5FFFF  }
0xb2: {  	[dreg:$0x1] =	wrdreg $0xFFFFFFFF  }
0xb3: {  	[dreg:$0x0] =	wrdreg $0x60  }
0xb4: {  	[dreg:$0x2] =	wrdreg s24  }
0xb5: {  	[dreg:$0x3] =	wrdreg s17  }
0xb6: {  	[dreg:$0x4] =	wrdreg s16  }
0xb7: {  	[dreg:$0x5] =	wrdreg $0xA  }
0xb8: {  	_ =	task.clear_ibuf [dreg:s8], $0x6FFFF;
	_ =	strace $0x90000046  }
0xb9: {  	s29 =	simm.s32 $0xA;
	_ =	strace $0x80000048  }
0xba: {  	_ =	swait.ge [sflag:s29], $0x1  }
0xbb: {  	[sflag:s29] =	ssyncadd.s32 $0xFFFFFFFF  }
0xbc: {  	_ =	strace $0x90000048  }
0xbd: {  	_ =	sfence  }
0xbe: {  	s30 =	sld [smem:$0x0];
	_ =	sdelay $0x2  }
0xbf: {  	s31 =	sshll.u32 s1, $0xD;
	s1 =	sshrl.u32 s1, $0x2  }
0xc0: {  	s3 =	sand.u32 $0x4000, s31;
	s1 =	sadd.s32 s1, s30  }
0xc1: {  	s0 =	sor.u32 s3, s0;
	s1 =	sshll.u32 s1, $0x11  }
0xc2: {  	s0 =	sor.u32 s1, s0  }
0xc3: {  	s0 =	sadd.s32 $0x8F2B, s0  }
0xc4: {  	[sflag:s0] =	ssyncadd.remote.s32 $0x1  }
0xc5: {  	_ =	sfence.sel $0xFFFF  }
0xc6: {  	[dreg:$0x0] =	wrdreg $0xFFFFFFFF;
	(pc) =	sbr.abs _section_cstart, $3  }
0xc7: {  	[dreg:$0x1] =	wrdreg $0xFFFFFFFF  }
0xc8: {  	_ =	task.clear_ibuf [dreg:s8], $0x2FFFF;
	_ =	strace $0x9FFFFFFF  }
0xc9: {  	(tm) =	ssettm $0x7FFFFFFF  }
tec
execute0_lowered:
.L_overlay_start_1:
0x0: {  	(tag) =	ssettag $0x1  }
0x1: {  	s10 =	rddreg [dreg:$0x0]  }
0x2: {  	s1 =	rddreg [dreg:$0x1]  }
0x3: {  	s2 =	rddreg [dreg:$0x2]  }
0x4: {  	s0 =	rddreg [dreg:$0x3]  }
0x5: {  	s3 =	simm.s32 $0x0;
	s4 =	stileid.u32;
	s9 =	srdreg.scid  }
0x6: {  	s16 =	simm.s32 $0x4100;
	s17 =	simm.s32 $0x8100;
	s18 =	simm.s32 $0x1  }
0x7: {  	s19 =	simm.s32 $0x2;
	s20 =	simm.s32 $0x400;
	s21 =	simm.s32 $0xC100  }
0x8: {  	s22 =	simm.s32 $0x0;
	[smem:$0x7FF] =	sst s3;
	s5 =	sadd.s32 $0x5800, s10  }
0x9: {  	s6 =	sadd.s32 $0x8A00, s10;
	s7 =	sadd.s32 $0xBC00, s10;
	s8 =	sadd.s32 $0x192A00, s10  }
0xa: {  	s11 =	sand.u32 $0x1, s9;
	s12 =	sshll.u32 s4, $0x1;
	s9 =	sadd.s32 $0x322A00, s10  }
0xb: {  	s13 =	sshll.u32 s4, $0x6;
	_ =	strace $0x80000047;
	s12 =	sor.u32 s11, s12  }
.Ltmp0:
0xc: {  	s13 =	sand.u32 $0x300, s13;
	s11 =	ssub.s32 $0x2, s11;
	(pc) =	sbr.rel .LBB2_1-.Ltmp0, $4  }
0xd: {  	s14 =	sshll.u32 s12, $0x4;
	s13 =	sadd.s32 s13, s10;
	s30 =	sshrl.u32 s11, $0x1  }
0xe: {  	s10 =	smul.u32 $0xC80, s12;
	s14 =	sand.u32 $0x70, s14;
	s15 =	ssub.s32 s11, s30  }
0xf: {  	s31 =	sadd.s32 s14, s13;
	s12 =	smax.u32 s15, $0x1;
	s13 =	simm.s32 $0x3  }
0x10: {  	v0 =	vimm.f32 $0.0e+00;
	s14 =	simm.s32 $0x80;
	s15 =	simm.s32 $0x100;
	s11 =	sadd.s32 $0x192600, s31  }
.LBB2_7:
0x11: {  	s22 =	sadd.s32 $0x1, s22  }
0x12: {  	p0 =	sne.s32 s22, s12  }
.Ltmp1:
0x13: {  	_ = 	snop;
	(pc) =	sbr.rel @!p0 .LBB2_8-.Ltmp1, $4  }
0x14: {  	[hbm4b:s11+s14] =	stream.strided.scatter [tilespmem:s21], [sflag:$0x2], $0x100, s20, s14, $0x38;
	[tilespmem:$0xC200] =	vst v63  }
0x15: {  	_ =	swait.ge [sflag:s19], $0x100  }
0x16: {  	[sflag:s19] =	ssyncset.done $0x0  }
0x17: {  	[sflag:s19] =	ssyncadd.s32 $0xFFFFFF00  }
.LBB2_1:
0x18: {  	[tilespmem:$0xC100] =	vst v0  }
0x19: {  	[tilespmem:$0xC110] =	vst v0  }
0x1a: {  	[tilespmem:$0xC120] =	vst v0  }
0x1b: {  	[tilespmem:$0xC130] =	vst v0  }
0x1c: {  	[tilespmem:$0xC140] =	vst v0  }
0x1d: {  	[tilespmem:$0xC150] =	vst v0  }
0x1e: {  	[tilespmem:$0xC160] =	vst v0  }
0x1f: {  	[tilespmem:$0xC170] =	vst v0  }
0x20: {  	[tilespmem:$0xC180] =	vst v0  }
0x21: {  	[tilespmem:$0xC190] =	vst v0  }
0x22: {  	[tilespmem:$0xC1A0] =	vst v0  }
.Ltmp2:
0x23: {  	[tilespmem:$0xC1B0] =	vst v0;
	(pc) =	sbr.rel .LBB2_2-.Ltmp2, $4  }
0x24: {  	[tilespmem:$0xC1C0] =	vst v0  }
0x25: {  	[tilespmem:$0xC1D0] =	vst v0  }
0x26: {  	[tilespmem:$0xC1E0] =	vst v0  }
0x27: {  	[tilespmem:$0xC1F0] =	vst v0;
	s23 =	simm.s32 $0x0  }
.LBB2_6:
0x28: {  	s23 =	sadd.s32 $0x1, s23  }
0x29: {  	p0 =	sne.s32 s23, $0x19  }
.Ltmp3:
0x2a: {  	_ = 	snop;
	(pc) =	sbr.rel @!p0 .LBB2_7-.Ltmp3, $1  }
0x2b: {  	_ =	sdelay $0x3  }
.LBB2_2:
0x2c: {  	s24 =	sshll.u32 s23, $0x7  }
0x2d: {  	s24 =	sadd.s32 s10, s24  }
0x2e: {  	p0 =	sgt.u32 s24, $0x1869F  }
.Ltmp4:
0x2f: {  	_ = 	snop;
	(pc) =	sbr.rel @p0 .LBB2_6-.Ltmp4, $1  }
0x30: {  	_ =	sdelay $0x3  }
0x31: {  	s25 =	sshrl.u32 s24, $0x3  }
0x32: {  	s28 =	simm.s32 $0x0;
	s26 =	sadd.s32 s5, s25  }
0x33: {  	[tilespmem:s28], [sflag:$0x3] =	stream.linear.gather [hbm4b:s26+s28], $0x80, $0x38;
	[tilespmem:$0xC200] =	vst v63  }
0x34: {  	_ =	swait.ge [sflag:s13], $0x80  }
0x35: {  	[sflag:s13] =	ssyncset.done $0x0  }
0x36: {  	s25 =	sadd.s32 s6, s25;
	[sflag:s13] =	ssyncadd.s32 $0xFFFFFF80  }
0x37: {  	[tilespmem:s14], [sflag:$0x3] =	stream.linear.gather [hbm4b:s25+s28], $0x80, $0x38;
	[tilespmem:$0xC200] =	vst v63  }
0x38: {  	_ =	swait.ge [sflag:s13], $0x80  }
0x39: {  	[sflag:s13] =	ssyncset.done $0x0  }
0x3a: {  	[sflag:s13] =	ssyncadd.s32 $0xFFFFFF80  }
0x3b: {  	[tilespmem:s15], [sflag:$0x1] =	stream.indirect.gather [hbm4b:s1+s14], $0x80, s28, s14, $0xb8;
	[tilespmem:$0xC200] =	vst v63  }
0x3c: {  	_ = 	snop  }
0x3d: {  	[tilespmem:s16], [sflag:$0x1] =	stream.indirect.gather [hbm4b:s2+s14], $0x80, s14, s14, $0xb8;
	[tilespmem:$0xC200] =	vst v63  }
0x3e: {  	_ = 	snop  }
0x3f: {  	[tilespmem:s17], [sflag:$0x1] =	stream.indirect.gather [hbm4b:s7+s14], $0x80, s14, s14, $0xb8;
	[tilespmem:$0xC200] =	vst v63  }
0x40: {  	_ =	swait.ge [sflag:s18], $0x4000  }
0x41: {  	[sflag:s18] =	ssyncset.done $0x0  }
0x42: {  	[sflag:s18] =	ssyncadd.s32 $0xFFFFC000  }
0x43: {  	_ =	swait.ge [sflag:s18], $0x4000  }
0x44: {  	[sflag:s18] =	ssyncset.done $0x0  }
0x45: {  	[sflag:s18] =	ssyncadd.s32 $0xFFFFC000  }
0x46: {  	_ =	swait.ge [sflag:s18], $0x4000  }
0x47: {  	[sflag:s18] =	ssyncset.done $0x0  }
0x48: {  	s25 =	simm.s32 $0x0;
	[sflag:s18] =	ssyncadd.s32 $0xFFFFC000  }
0x49: {  	v23 =	vld [tilespmem:s25+$0x4100]  }
0x4a: {  	v24 =	vld [tilespmem:s25+$0x4110]  }
0x4b: {  	v22 =	vld [tilespmem:s25+$0x4120]  }
0x4c: {  	v21 =	vld [tilespmem:s25+$0x4130]  }
0x4d: {  	v20 =	vld [tilespmem:s25+$0x4140]  }
0x4e: {  	v18 =	vld [tilespmem:s25+$0x4150]  }
0x4f: {  	v17 =	vld [tilespmem:s25+$0x4160]  }
0x50: {  	v15 =	vimm.f32 $0.0e+00;
	v19 =	vld [tilespmem:s25+$0x4170]  }
0x51: {  	v14 =	vimm.f32 $0.0e+00;
	v16 =	vimm.f32 $0.0e+00;
	v12 =	vimm.f32 $0.0e+00;
	v27 =	vld [tilespmem:s25+$0x100]  }
0x52: {  	v10 =	vimm.f32 $0.0e+00;
	v8 =	vimm.f32 $0.0e+00;
	v13 =	vimm.f32 $0.0e+00;
	v29 =	vld [tilespmem:s25+$0x110]  }
0x53: {  	v6 =	vimm.f32 $0.0e+00;
	v11 =	vimm.f32 $0.0e+00;
	v4 =	vimm.f32 $0.0e+00;
	v28 =	vld [tilespmem:s25+$0x120]  }
0x54: {  	v9 =	vimm.f32 $0.0e+00;
	v2 =	vimm.f32 $0.0e+00;
	v7 =	vimm.f32 $0.0e+00;
	v26 =	vld [tilespmem:s25+$0x130]  }
0x55: {  	v1 =	vimm.f32 $0.0e+00;
	v5 =	vimm.f32 $0.0e+00;
	v3 =	vimm.f32 $0.0e+00;
	s26 =	simm.s32 $0x200;
	v25 =	vld [tilespmem:s25+$0x140]  }
.LBB2_4:
0x56: {  	p0 =	sne.s32 s26, $0xFE00;
	v23 =	vadd.f32 v23, v27;
	v27 =	vld [tilespmem:s25+$0x150]  }
0x57: {  	v24 =	vadd.f32 v24, v29;
	v29 =	vld [tilespmem:s25+$0x160]  }
0x58: {  	s28 =	sshra.s32 s26, $0x2;
	[tilespmem:s25+$0x100] =	vst v23;
	v15 =	vadd.f32 v23, v15;
	v30 =	vmul.f32 v23, v23;
	v28 =	vadd.f32 v22, v28;
	v31 =	vld [tilespmem:s25+$0x170]  }
0x59: {  	v23 =	vld [tilespmem:s28+$0x4100];
	[tilespmem:s25+$0x110] =	vst v24;
	v14 =	vadd.f32 v24, v14;
	v32 =	vmul.f32 v24, v24;
	v26 =	vadd.f32 v21, v26  }
0x5a: {  	v24 =	vld [tilespmem:s28+$0x4110];
	v16 =	vadd.f32 v30, v16;
	[tilespmem:s25+$0x120] =	vst v28;
	v30 =	vmul.f32 v28, v28;
	v25 =	vadd.f32 v20, v25  }
0x5b: {  	v22 =	vld [tilespmem:s28+$0x4120];
	v12 =	vadd.f32 v32, v12;
	[tilespmem:s25+$0x130] =	vst v26;
	v32 =	vmul.f32 v26, v26;
	v33 =	vadd.f32 v18, v27  }
0x5c: {  	v21 =	vld [tilespmem:s28+$0x4130];
	v10 =	vadd.f32 v30, v10;
	[tilespmem:s25+$0x140] =	vst v25;
	v27 =	vmul.f32 v25, v25;
	v30 =	vadd.f32 v17, v29  }
0x5d: {  	v20 =	vld [tilespmem:s28+$0x4140];
	v8 =	vadd.f32 v32, v8;
	[tilespmem:s25+$0x150] =	vst v33;
	v29 =	vmul.f32 v33, v33;
	v31 =	vadd.f32 v19, v31  }
0x5e: {  	v13 =	vadd.f32 v28, v13;
	v18 =	vld [tilespmem:s28+$0x4150];
	v6 =	vadd.f32 v27, v6;
	[tilespmem:s25+$0x160] =	vst v30;
	v27 =	vmul.f32 v30, v30  }
0x5f: {  	v11 =	vadd.f32 v26, v11;
	v17 =	vld [tilespmem:s28+$0x4160];
	v4 =	vadd.f32 v29, v4;
	[tilespmem:s25+$0x170] =	vst v31;
	v26 =	vmul.f32 v31, v31;
	s25 =	smov.u32 s28  }
0x60: {  	v9 =	vadd.f32 v25, v9;
	v19 =	vld [tilespmem:s25+$0x4170];
	v2 =	vadd.f32 v27, v2  }
.Ltmp5:
0x61: {  	v7 =	vadd.f32 v33, v7;
	v27 =	vld [tilespmem:s25+$0x100];
	v1 =	vadd.f32 v26, v1;
	(pc) =	sbr.rel @p0 .LBB2_4-.Ltmp5, $4  }
0x62: {  	v5 =	vadd.f32 v30, v5;
	v3 =	vadd.f32 v31, v3;
	v29 =	vld [tilespmem:s25+$0x110]  }
0x63: {  	v28 =	vld [tilespmem:s25+$0x120]  }
0x64: {  	v26 =	vld [tilespmem:s25+$0x130]  }
0x65: {  	s26 =	sadd.s32 $0x200, s26;
	v25 =	vld [tilespmem:s25+$0x140]  }
0x66: {  	v23 =	vadd.f32 v23, v27;
	v39 =	vld [tilespmem:s25+$0x150]  }
0x67: {  	v30 =	vld [tilespmem:s25+$0x160];
	v24 =	vadd.f32 v24, v29  }
0x68: {  	v40 =	vld [tilespmem:s25+$0x170];
	[tilespmem:s25+$0x100] =	vst v23;
	v22 =	vadd.f32 v22, v28  }
0x69: {  	[tilespmem:s25+$0x110] =	vst v24;
	v21 =	vadd.f32 v21, v26  }
0x6a: {  	[tilespmem:s25+$0x120] =	vst v22;
	v20 =	vadd.f32 v20, v25  }
0x6b: {  	[tilespmem:s25+$0x130] =	vst v21;
	v18 =	vadd.f32 v18, v39  }
0x6c: {  	v17 =	vadd.f32 v17, v30;
	[tilespmem:s25+$0x140] =	vst v20  }
0x6d: {  	v19 =	vadd.f32 v19, v40;
	[tilespmem:s25+$0x150] =	vst v18  }
0x6e: {  	[tilespmem:s25+$0x160] =	vst v17  }
0x6f: {  	[tilespmem:s25+$0x170] =	vst v19  }
0x70: {  	v41 =	vld [tilespmem:$0xC100]  }
0x71: {  	v42 =	vld [tilespmem:$0xC180]  }
0x72: {  	v43 =	vmul.f32 v23, v23;
	v44 =	vld [tilespmem:$0xC110]  }
0x73: {  	v15 =	vadd.f32 v23, v15;
	v45 =	vld [tilespmem:$0xC190]  }
0x74: {  	v29 =	vmul.f32 v24, v24;
	v16 =	vadd.f32 v43, v16;
	v46 =	vld [tilespmem:$0xC120]  }
0x75: {  	v14 =	vadd.f32 v24, v14;
	v47 =	vld [tilespmem:$0xC1A0];
	v15 =	vadd.f32 v41, v15  }
0x76: {  	v48 =	vmul.f32 v22, v22;
	v12 =	vadd.f32 v29, v12;
	v49 =	vld [tilespmem:$0xC130];
	v16 =	vadd.f32 v42, v16  }
0x77: {  	v13 =	vadd.f32 v22, v13;
	v50 =	vld [tilespmem:$0xC1B0];
	v14 =	vadd.f32 v44, v14;
	[tilespmem:$0xC100] =	vst v15  }
0x78: {  	v51 =	vmul.f32 v21, v21;
	v10 =	vadd.f32 v48, v10;
	v52 =	vld [tilespmem:$0xC140];
	v12 =	vadd.f32 v45, v12;
	[tilespmem:$0xC180] =	vst v16  }
0x79: {  	v11 =	vadd.f32 v21, v11;
	v53 =	vld [tilespmem:$0xC1C0];
	v13 =	vadd.f32 v46, v13;
	[tilespmem:$0xC110] =	vst v14  }
0x7a: {  	v54 =	vmul.f32 v20, v20;
	v8 =	vadd.f32 v51, v8;
	v55 =	vld [tilespmem:$0xC150];
	v10 =	vadd.f32 v47, v10;
	[tilespmem:$0xC190] =	vst v12  }
0x7b: {  	v9 =	vadd.f32 v20, v9;
	v56 =	vld [tilespmem:$0xC1D0];
	v11 =	vadd.f32 v49, v11;
	[tilespmem:$0xC120] =	vst v13  }
0x7c: {  	v57 =	vmul.f32 v18, v18;
	v6 =	vadd.f32 v54, v6;
	v58 =	vld [tilespmem:$0xC160];
	v8 =	vadd.f32 v50, v8;
	[tilespmem:$0xC1A0] =	vst v10  }
0x7d: {  	v7 =	vadd.f32 v18, v7;
	v59 =	vld [tilespmem:$0xC1E0];
	v9 =	vadd.f32 v52, v9;
	[tilespmem:$0xC130] =	vst v11  }
0x7e: {  	v60 =	vmul.f32 v17, v17;
	v61 =	vld [tilespmem:$0xC170];
	v4 =	vadd.f32 v57, v4;
	v6 =	vadd.f32 v53, v6;
	[tilespmem:$0xC1B0] =	vst v8  }
0x7f: {  	v5 =	vadd.f32 v17, v5;
	v62 =	vld [tilespmem:$0xC1F0];
	v7 =	vadd.f32 v55, v7;
	[tilespmem:$0xC140] =	vst v9  }
0x80: {  	v63 =	vmul.f32 v19, v19;
	v2 =	vadd.f32 v60, v2;
	v4 =	vadd.f32 v56, v4;
	[tilespmem:$0xC1C0] =	vst v6  }
0x81: {  	v3 =	vadd.f32 v19, v3;
	v5 =	vadd.f32 v58, v5;
	[tilespmem:$0xC150] =	vst v7  }
0x82: {  	v1 =	vadd.f32 v63, v1;
	v2 =	vadd.f32 v59, v2;
	[tilespmem:$0xC1D0] =	vst v4  }
0x83: {  	v3 =	vadd.f32 v61, v3;
	[tilespmem:$0xC160] =	vst v5  }
0x84: {  	v1 =	vadd.f32 v62, v1;
	[tilespmem:$0xC1E0] =	vst v2  }
0x85: {  	s24 =	sshll.u32 s24, $0x4;
	[tilespmem:$0xC170] =	vst v3  }
0x86: {  	s31 =	sadd.s32 s8, s24;
	[tilespmem:$0xC1F0] =	vst v1  }
0x87: {  	[hbm4b:s31+s3] =	stream.linear.scatter [tilespmem:s15], [sflag:$0x3], $0x4000, $0x38;
	[tilespmem:$0xC200] =	vst v63  }
0x88: {  	_ =	swait.ge [sflag:s13], $0x4000  }
0x89: {  	[sflag:s13] =	ssyncset.done $0x0  }
.Ltmp6:
0x8a: {  	s24 =	sadd.s32 s9, s24;
	[sflag:s13] =	ssyncadd.s32 $0xFFFFC000;
	(pc) =	sbr.rel .LBB2_6-.Ltmp6, $4  }
0x8b: {  	[hbm4b:s24+s3] =	stream.linear.scatter [tilespmem:s17], [sflag:$0x2], $0x4000, $0x38;
	[tilespmem:$0xC200] =	vst v63  }
0x8c: {  	_ =	swait.ge [sflag:s19], $0x4000  }
0x8d: {  	[sflag:s19] =	ssyncset.done $0x0  }
0x8e: {  	[sflag:s19] =	ssyncadd.s32 $0xFFFFC000  }
.LBB2_8:
0x8f: {  	_ =	sfence.sel $0x180000  }
0x90: {  	[bflag:$0x0] =	sbarrier.arrive $0xFFFF  }
0x91: {  	p0 =	sne.s32 s4, $0x0;
	_ =	strace $0x90000047  }
0x92: {  	s0 =	sadd.s32 @!p0 $0x100000, s0;
	[bflag:$0x2] =	sbarrier.arrive $0xFFFF  }
0x93: {  	[sflag:s0] =	ssyncadd.tile.s32 @!p0 $0x1;
	_ =	shalt  }
.Lfunc_end2:
_tile_overlayer_lowered:
.L_overlay_start_2:
0x94: {  	(tag) =	ssettag $0x2  }
0x95: {  	s0 =	rddreg [dreg:$0x0];
	s2 =	stileid.u32  }
0x96: {  	s1 =	rddreg [dreg:$0x1];
	p0 =	sne.s32 s2, $0x0  }
0x97: {  	s3 =	rddreg [dreg:$0x2];
	[bflag:$0x3] =	sbarrier.arrive $0xFFFF;
	s2 =	simm.s32 @!p0 $0x1C02  }
0x98: {  	[timem:s3], [sflag:s2] =	dma.local @!p0 [hbm:s0], s1  }
0x99: {  	s0 =	simm.s32 @!p0 $0x2  }
0x9a: {  	_ =	swait.ge @!p0 [sflag:s0], s1  }
0x9b: {  	s1 =	ssub.s32 @!p0 $0x0, s1;
	[sflag:s0] =	ssyncset.done @!p0 $0x0  }
0x9c: {  	[sflag:s0] =	ssyncadd.s32 @!p0 s1  }
0x9d: {  	[bflag:$0x3] =	sbarrier.arrive $0xFFFF  }
0x9e: {  	_ =	shalt  }

// kernel: kernel.15.cloned.1.call-start
scs
__scs_entry_jumppad:
0x0: {  	(pc) =	sbr.rel $0x88, $3  }
0x1: {  	(tag) =	ssettag $0x0;
	lr =	simm.s32 $0x1  }
0x2: {  	[smem:$0x3F90] =	sst lr;
	_ =	strace $0xD0000000  }
0x3: {  	_ = 	snop  }
0x4: {  	_ = 	snop  }
0x5: {  	_ = 	snop  }
0x6: {  	_ = 	snop  }
0x7: {  	_ = 	snop  }
__scs_overlays_trampoline_lowered:
0x8: {  	[smem:$0x3F9F] =	sst s0  }
0x9: {  	[smem:$0x3FA0] =	sst s1  }
0xa: {  	[smem:$0x3FA1] =	sst s2  }
0xb: {  	[smem:$0x3FA2] =	sst s3  }
0xc: {  	[smem:$0x3FA3] =	sst s4  }
0xd: {  	[smem:$0x3FA4] =	sst s5  }
0xe: {  	[smem:$0x3FA5] =	sst s6  }
0xf: {  	[smem:$0x3FA6] =	sst s7  }
0x10: {  	[smem:$0x3FA7] =	sst s8  }
0x11: {  	[smem:$0x3FA8] =	sst s9;
	s0 =	simm.s32 @!p0 $0x0  }
0x12: {  	s1 =	sld [smem:$0x3F8E];
	s0 =	simm.s32 @p0 $0x1  }
0x13: {  	[smem:$0x3FA9] =	sst s0;
	s0 =	simm.s32 @!p1 $0x0  }
0x14: {  	s2 =	sld [smem:$0x3F8D];
	s0 =	simm.s32 @p1 $0x1  }
0x15: {  	[smem:$0x3FAA] =	sst s0;
	s0 =	simm.s32 @!p2 $0x0  }
0x16: {  	s3 =	sld [smem:$0x3FDB];
	s0 =	simm.s32 @p2 $0x1  }
0x17: {  	s4 =	simm.s32 $0x1BF5;
	[smem:$0x3FAC] =	sst s0  }
0x18: {  	s0 =	sld [smem:$0x3F8F];
	_ =	swait.ge [sflag:s4], $0x0  }
0x19: {  	s7 =	sld [smem:$0x3F90]  }
0x1a: {  	s8 =	sadd.s32 $0xFFFFE003, lr  }
0x1b: {  	s9 =	sadd.s32 $0xFFFFFEF7, lr;
	s5 =	simm.s32 $0xFFFFFFFF;
	p2 =	slt.u32 s8, $0xFFFFF086  }
0x1c: {  	p1 =	slt.u32 s9, $0xF7A;
	s5 =	simm.s32 @!p2 $0x0  }
0x1d: {  	s5 =	simm.s32 @p1 $0x1;
	p0 =	seq.s32 s7, s2  }
0x1e: {  	s7 =	smul.u32 @!p0 $0xF7A, s2;
	p2 =	seq.s32 @!p0 s5, $0x0  }
0x1f: {  	s9 =	smul.u32 $0xF7A, s1;
	s8 =	simm.s32 @!p0 $0x1BF5;
	p2 =	por !p2, p0  }
0x20: {  	[sflag:s8] =	ssyncset.s32 @!p0 $0xFFFFF086;
	s6 =	sadd.s32 @!p0 s3, s7;
	s7 =	simm.s32 @!p0 $0x108  }
0x21: {  	s3 =	sadd.s32 s3, s9;
	s6 =	sadd.s32 @!p0 $0x88, s6;
	s7 =	simm.s32 @p2 $0x1082  }
0x22: {  	[simem:s7], [sflag:s8] =	dma.local @!p0 [hbm:s6], $0xF7A  }
0x23: {  	s9 =	sor.u32 $0xD0000000, s2;
	s6 =	simm.s32 $0x108;
	_ =	swait.ge @!p0 [sflag:s8], $0x0  }
0x24: {  	s3 =	sadd.s32 $0x88, s3;
	s6 =	simm.s32 @!p1 $0x1082;
	[sflag:s4] =	ssyncset.s32 $0xFFFFF086  }
0x25: {  	[simem:s6], [sflag:s4] =	dma.local [hbm:s3], $0xF7A  }
0x26: {  	[smem:$0x3F90] =	sst s1;
	(tag) =	ssettag s2;
	_ =	strace s9  }
0x27: {  	s1 =	sld [smem:$0x3FA0]  }
0x28: {  	s2 =	sld [smem:$0x3FA1]  }
0x29: {  	s4 =	sld [smem:$0x3FA3]  }
0x2a: {  	p0 =	seq.s32 s5, $0x0;
	s5 =	sld [smem:$0x3FA4]  }
0x2b: {  	s6 =	sld [smem:$0x3FA5]  }
0x2c: {  	s7 =	sld [smem:$0x3FA6]  }
0x2d: {  	s3 =	simm.s32 $0x108;
	s8 =	sld [smem:$0x3FA7]  }
0x2e: {  	s3 =	simm.s32 @!p0 $0x1082;
	s9 =	sld [smem:$0x3FA8]  }
0x2f: {  	lr =	sadd.s32 s0, s3;
	s0 =	sld [smem:$0x3F9F]  }
0x30: {  	s3 =	sld [smem:$0x3FA2]  }
0x31: {  	[smem:$0x3FAB] =	sst s10  }
0x32: {  	s10 =	sld [smem:$0x3FA9];
	_ =	sdelay $0x3  }
0x33: {  	p0 =	seq.s32 s10, $0x1;
	s10 =	sld [smem:$0x3FAB];
	_ =	sdelay $0x3  }
0x34: {  	[smem:$0x3FAB] =	sst s10  }
0x35: {  	s10 =	sld [smem:$0x3FAA];
	_ =	sdelay $0x3  }
0x36: {  	p1 =	seq.s32 s10, $0x1;
	s10 =	sld [smem:$0x3FAB];
	_ =	sdelay $0x3  }
0x37: {  	[smem:$0x3FAB] =	sst s10  }
0x38: {  	s10 =	sld [smem:$0x3FAC]  }
0x39: {  	_ = 	snop;
	(pc) =	sbr.ind lr, $3  }
0x3a: {  	_ = 	snop  }
0x3b: {  	_ = 	snop  }
0x3c: {  	p2 =	seq.s32 s10, $0x1;
	s10 =	sld [smem:$0x3FAB]  }
0x3d: {  	_ =	shalt  }
0x3e: {  	_ =	shalt  }
0x3f: {  	_ =	shalt  }
0x40: {  	_ =	shalt  }
0x41: {  	_ =	shalt  }
0x42: {  	_ =	shalt  }
0x43: {  	_ =	shalt  }
0x44: {  	_ =	shalt  }
0x45: {  	_ =	shalt  }
0x46: {  	_ =	shalt  }
0x47: {  	_ =	shalt  }
0x48: {  	_ =	shalt  }
0x49: {  	_ =	shalt  }
0x4a: {  	_ =	shalt  }
0x4b: {  	_ =	shalt  }
0x4c: {  	_ =	shalt  }
0x4d: {  	_ =	shalt  }
0x4e: {  	_ =	shalt  }
0x4f: {  	_ =	shalt  }
0x50: {  	_ =	shalt  }
0x51: {  	_ =	shalt  }
0x52: {  	_ =	shalt  }
0x53: {  	_ =	shalt  }
0x54: {  	_ =	shalt  }
0x55: {  	_ =	shalt  }
0x56: {  	_ =	shalt  }
0x57: {  	_ =	shalt  }
0x58: {  	_ =	shalt  }
0x59: {  	_ =	shalt  }
0x5a: {  	_ =	shalt  }
0x5b: {  	_ =	shalt  }
0x5c: {  	_ =	shalt  }
0x5d: {  	_ =	shalt  }
0x5e: {  	_ =	shalt  }
0x5f: {  	_ =	shalt  }
0x60: {  	_ =	shalt  }
0x61: {  	_ =	shalt  }
0x62: {  	_ =	shalt  }
0x63: {  	_ =	shalt  }
0x64: {  	_ =	shalt  }
0x65: {  	_ =	shalt  }
0x66: {  	_ =	shalt  }
0x67: {  	_ =	shalt  }
0x68: {  	_ =	shalt  }
0x69: {  	_ =	shalt  }
0x6a: {  	_ =	shalt  }
0x6b: {  	_ =	shalt  }
0x6c: {  	_ =	shalt  }
0x6d: {  	_ =	shalt  }
0x6e: {  	_ =	shalt  }
0x6f: {  	_ =	shalt  }
0x70: {  	_ =	shalt  }
0x71: {  	_ =	shalt  }
0x72: {  	_ =	shalt  }
0x73: {  	_ =	shalt  }
0x74: {  	_ =	shalt  }
0x75: {  	_ =	shalt  }
0x76: {  	_ =	shalt  }
0x77: {  	_ =	shalt  }
0x78: {  	_ =	shalt  }
0x79: {  	_ =	shalt  }
0x7a: {  	_ =	shalt  }
0x7b: {  	_ =	shalt  }
0x7c: {  	_ =	shalt  }
0x7d: {  	_ =	shalt  }
0x7e: {  	_ =	shalt  }
0x7f: {  	_ =	shalt  }
0x80: {  	_ =	shalt  }
0x81: {  	_ =	shalt  }
0x82: {  	_ =	shalt  }
0x83: {  	_ =	shalt  }
0x84: {  	_ =	shalt  }
0x85: {  	_ =	shalt  }
0x86: {  	_ =	shalt  }
0x87: {  	_ =	shalt  }
.Lfunc_end0:
.L_simem_size_0:
called_computation.2_lowered:
.L_overlay_start_0:
0x88: {  	s2 =	sld [smem:$0x3FD9]  }
0x89: {  	s3 =	sld [smem:$0x3FFE];
	_ =	sdelay $0x1  }
0x8a: {  	s1 =	srdreg.scid  }
0x8b: {  	s0 =	sand.u32 $0x1, s1  }
0x8c: {  	s16 =	sshll.u32 s0, $0xA;
	s2 =	sadd.s32 s3, s2  }
0x8d: {  	s2 =	sadd.s32 s2, s16  }
0x8e: {  	[smem:$0x3FB7] =	sst s2  }
0x8f: {  	_ = 	snop  }
0x90: {  	(tm) =	ssettm $0x1  }
0x91: {  	s17 =	sld [smem:$0x3FFB];
	_ =	sdelay $0x3  }
0x92: {  	_ =	strace s17  }
0x93: {  	s2 =	sld [smem:$0x3FFC];
	_ =	sdelay $0x3  }
0x94: {  	_ =	strace s2  }
0x95: {  	s2 =	sld [smem:$0x3FFD];
	_ =	sdelay $0x3  }
0x96: {  	_ =	strace s2  }
0x97: {  	_ =	strace $0x8FFFFFFF  }
0x98: {  	s18 =	sld [smem:$0x3FDB];
	_ =	sdelay $0x1  }
0x99: {  	s19 =	simm.s32 $_scs_section_size  }
0x9a: {  	s4 =	simm.s32 $_size__tile_overlayer_lowered;
	s5 =	simm.s32 $_tile_overlayer_lowered  }
0x9b: {  	s22 =	simm.s32 $0x1BFF;
	s21 =	sshll.u32 s5, $0x1;
	s2 =	sadd.s32 s19, s18  }
0x9c: {  	s6 =	simm.s32 $0x0;
	s20 =	sshll.u32 s4, $0x1;
	s4 =	sadd.s32 s21, s2  }
0x9d: {  	[timem:s6], [sflag:s22] =	dma.local [hbm:s4], s20  }
0x9e: {  	_ =	swait.ge [sflag:s22], s20  }
0x9f: {  	s3 =	ssub.s32 $0x0, s20;
	[sflag:s22] =	ssyncset.done $0x0  }
0xa0: {  	[sflag:s22] =	ssyncadd.s32 s3;
	_ =	sdelay $0x1  }
0xa1: {  	s23 =	simm.s32 $0x1B8B  }
0xa2: {  	_ =	swait.ge [sflag:s23], $0x1  }
0xa3: {  	[sflag:s23] =	ssyncset.done $0x0  }
0xa4: {  	s25 =	simm.s32 $0x1B8E;
	s24 =	sld [smem:$0x3FFE];
	[sflag:s23] =	ssyncadd.s32 $0xFFFFFFFF  }
0xa5: {  	s26 =	simm.s32 $execute0_lowered;
	[smem:$0x3FD2] =	sst s25  }
0xa6: {  	s4 =	sshll.u32 s26, $0x1;
	_ =	strace $0x8000004C;
	[dreg:$0x1] =	wrdreg $0xFFFFFFFF  }
0xa7: {  	s28 =	simm.s32 $_size_execute0_lowered;
	s2 =	sadd.s32 s2, s4;
	[dreg:$0x0] =	wrdreg $0x0  }
0xa8: {  	s4 =	sshll.u32 s28, $0x1;
	[dreg:$0x2] =	wrdreg s2  }
0xa9: {  	[dreg:$0x3] =	wrdreg s4  }
0xaa: {  	[dreg:$0x4] =	wrdreg $0xC0  }
0xab: {  	_ =	task [dreg:s6], $0x5FFFF  }
0xac: {  	[dreg:$0x1] =	wrdreg $0xFFFFFFFF  }
0xad: {  	[dreg:$0x0] =	wrdreg $0x60  }
0xae: {  	[dreg:$0x2] =	wrdreg s24  }
0xaf: {  	[dreg:$0x3] =	wrdreg $0x9  }
0xb0: {  	_ =	task.clear_ibuf [dreg:s6], $0x4FFFF;
	_ =	strace $0x9000004C  }
0xb1: {  	s29 =	simm.s32 $0x9;
	_ =	strace $0x8000004E  }
0xb2: {  	_ =	swait.ge [sflag:s29], $0x1  }
0xb3: {  	[sflag:s29] =	ssyncadd.s32 $0xFFFFFFFF  }
0xb4: {  	_ =	strace $0x9000004E  }
0xb5: {  	_ =	sfence  }
0xb6: {  	s30 =	sld [smem:$0x0];
	_ =	sdelay $0x2  }
0xb7: {  	s31 =	sshll.u32 s1, $0xD;
	s1 =	sshrl.u32 s1, $0x2  }
0xb8: {  	s3 =	sand.u32 $0x4000, s31;
	s1 =	sadd.s32 s1, s30  }
0xb9: {  	s0 =	sor.u32 s3, s0;
	s1 =	sshll.u32 s1, $0x11  }
0xba: {  	s0 =	sor.u32 s1, s0  }
0xbb: {  	s0 =	sadd.s32 $0x8F2B, s0  }
0xbc: {  	[sflag:s0] =	ssyncadd.remote.s32 $0x1  }
0xbd: {  	_ =	sfence.sel $0xFFFF  }
0xbe: {  	[dreg:$0x0] =	wrdreg $0xFFFFFFFF;
	(pc) =	sbr.abs _section_cstart, $3  }
0xbf: {  	[dreg:$0x1] =	wrdreg $0xFFFFFFFF  }
0xc0: {  	_ =	task.clear_ibuf [dreg:s6], $0x2FFFF;
	_ =	strace $0x9FFFFFFF  }
0xc1: {  	(tm) =	ssettm $0x7FFFFFFF  }
tec
execute0_lowered:
.L_overlay_start_1:
0x0: {  	(tag) =	ssettag $0x1  }
0x1: {  	s1 =	srdreg.scid  }
0x2: {  	s0 =	stileid.u32;
	s4 =	rddreg [dreg:$0x0];
	s2 =	simm.s32 $0x0  }
0x3: {  	s5 =	sand.u32 $0x1, s1;
	s3 =	smul.u32 $0x1900, s0;
	s1 =	rddreg [dreg:$0x1]  }
0x4: {  	[smem:$0x7FF] =	sst s2;
	s6 =	smul.u32 $0xC80, s5  }
0x5: {  	s30 =	smul.u32 $0x19000, s0;
	_ =	strace $0x8000004D;
	s8 =	ssub.s32 $0x2, s5  }
0x6: {  	s5 =	smul.u32 $0xC800, s5;
	s9 =	sshrl.u32 s8, $0x1;
	s3 =	sadd.s32 s6, s3  }
0x7: {  	s6 =	sadd.s32 s30, s4;
	s8 =	ssub.s32 s8, s9;
	s7 =	sshrl.u32 s3, $0x3  }
0x8: {  	s31 =	sadd.s32 s5, s6;
	s7 =	sadd.s32 s7, s4;
	s4 =	sadd.s32 $0x5800, s4  }
0x9: {  	s5 =	smax.u32 s8, $0x1;
	s6 =	sadd.s32 $0x4B2A00, s7;
	s7 =	sadd.s32 $0x18D800, s31  }
.LBB2_1:
0xa: {  	p0 =	sgt.u32 s3, $0x1869F  }
0xb: {  	s8 =	sadd.s32 @!p0 $0x0, s6;
	s10 =	simm.s32 @!p0 $0x0;
	s9 =	simm.s32 @!p0 $0x3  }
0xc: {  	[tilespmem:s10], [sflag:$0x3] =	stream.linear.gather @!p0 [hbm4b:s8+s10], $0x80, $0x38;
	[tilespmem:$0x4080] =	vst v63  }
0xd: {  	_ =	swait.ge @!p0 [sflag:s9], $0x80;
	p0 =	por p0, p0  }
0xe: {  	[sflag:s9] =	ssyncset.done @!p0 $0x0  }
0xf: {  	s8 =	simm.s32 @!p0 $0x80;
	s11 =	simm.s32 @!p0 $0x1;
	[sflag:s9] =	ssyncadd.s32 @!p0 $0xFFFFFF80  }
0x10: {  	[tilespmem:s8], [sflag:$0x1] =	stream.indirect.gather @!p0 [hbm4b:s4+s8], $0x80, s10, s8, $0xb8;
	[tilespmem:$0x4080] =	vst v63  }
0x11: {  	_ =	swait.ge @!p0 [sflag:s11], $0x4000  }
0x12: {  	[sflag:s11] =	ssyncset.done @!p0 $0x0  }
0x13: {  	s12 =	simm.s32 @!p0 $0x2;
	[sflag:s11] =	ssyncadd.s32 @!p0 $0xFFFFC000  }
0x14: {  	[hbm4b:s7+s10] =	stream.linear.scatter @!p0 [tilespmem:s8], [sflag:$0x2], $0x4000, $0x38;
	[tilespmem:$0x4080] =	vst v63  }
0x15: {  	s9 =	simm.s32 $0x10;
	s11 =	sadd.s32 $0x80, s3;
	s10 =	simm.s32 $0x20  }
0x16: {  	p1 =	sgt.u32 s11, $0x1869F;
	s8 =	sadd.s32 $0x800, s7;
	_ =	swait.ge @!p0 [sflag:s12], $0x4000  }
.LBB2_2:
0x17: {  	s13 =	sadd.s32 @!p1 s9, s6  }
0x18: {  	s14 =	simm.s32 @!p1 $0x0;
	[sflag:s12] =	ssyncset.done @!p0 $0x0;
	s9 =	smov.u32 s10  }
0x19: {  	s10 =	sadd.s32 $0x10, s10;
	s15 =	simm.s32 @!p1 $0x3;
	[sflag:s12] =	ssyncadd.s32 @!p0 $0xFFFFC000  }
0x1a: {  	[tilespmem:s14], [sflag:$0x3] =	stream.linear.gather @!p1 [hbm4b:s13+s14], $0x80, $0x38;
	[tilespmem:$0x4080] =	vst v63  }
0x1b: {  	p2 =	sne.s32 s10, $0x190;
	p0 =	por p1, p1;
	_ =	swait.ge @!p1 [sflag:s15], $0x80  }
0x1c: {  	[sflag:s15] =	ssyncset.done @!p0 $0x0  }
0x1d: {  	s13 =	simm.s32 @!p0 $0x80;
	s12 =	simm.s32 @!p0 $0x1;
	[sflag:s15] =	ssyncadd.s32 @!p0 $0xFFFFFF80  }
0x1e: {  	[tilespmem:s13], [sflag:$0x1] =	stream.indirect.gather @!p0 [hbm4b:s4+s13], $0x80, s14, s13, $0xb8;
	[tilespmem:$0x4080] =	vst v63  }
.Ltmp0:
0x1f: {  	_ =	swait.ge @!p0 [sflag:s12], $0x4000;
	(pc) =	sbr.rel @p2 .LBB2_2-.Ltmp0, $4  }
0x20: {  	[sflag:s12] =	ssyncset.done @!p0 $0x0  }
0x21: {  	s11 =	sadd.s32 $0x80, s11;
	[sflag:s12] =	ssyncadd.s32 @!p0 $0xFFFFC000;
	s12 =	simm.s32 @!p0 $0x2  }
0x22: {  	[hbm4b:s8+s14] =	stream.linear.scatter @!p0 [tilespmem:s13], [sflag:$0x2], $0x4000, $0x38;
	[tilespmem:$0x4080] =	vst v63  }
0x23: {  	p1 =	sgt.u32 s11, $0x1869F;
	s8 =	sadd.s32 $0x800, s8;
	_ =	swait.ge @!p0 [sflag:s12], $0x4000  }
0x24: {  	s9 =	sadd.s32 @!p1 s9, s6;
	[sflag:s12] =	ssyncset.done @!p0 $0x0  }
0x25: {  	s10 =	simm.s32 @!p1 $0x0;
	s11 =	simm.s32 @!p1 $0x3;
	[sflag:s12] =	ssyncadd.s32 @!p0 $0xFFFFC000  }
0x26: {  	[tilespmem:s10], [sflag:$0x3] =	stream.linear.gather @!p1 [hbm4b:s9+s10], $0x80, $0x38;
	[tilespmem:$0x4080] =	vst v63  }
0x27: {  	p0 =	por p1, p1;
	_ =	swait.ge @!p1 [sflag:s11], $0x80  }
0x28: {  	[sflag:s11] =	ssyncset.done @!p0 $0x0  }
0x29: {  	s9 =	simm.s32 @!p0 $0x80;
	[sflag:s11] =	ssyncadd.s32 @!p0 $0xFFFFFF80;
	s11 =	simm.s32 @!p0 $0x1  }
0x2a: {  	[tilespmem:s9], [sflag:$0x1] =	stream.indirect.gather @!p0 [hbm4b:s4+s9], $0x80, s10, s9, $0xb8;
	[tilespmem:$0x4080] =	vst v63  }
0x2b: {  	s2 =	sadd.s32 $0x1, s2;
	_ =	swait.ge @!p0 [sflag:s11], $0x4000  }
0x2c: {  	p1 =	sne.s32 s2, s5;
	[sflag:s11] =	ssyncset.done @!p0 $0x0  }
.Ltmp1:
0x2d: {  	[sflag:s11] =	ssyncadd.s32 @!p0 $0xFFFFC000;
	s11 =	simm.s32 @!p0 $0x2;
	(pc) =	sbr.rel @p1 .LBB2_1-.Ltmp1, $4  }
0x2e: {  	[hbm4b:s8+s10] =	stream.linear.scatter @!p0 [tilespmem:s9], [sflag:$0x2], $0x4000, $0x38;
	[tilespmem:$0x4080] =	vst v63  }
0x2f: {  	_ =	swait.ge @!p0 [sflag:s11], $0x4000  }
0x30: {  	[sflag:s11] =	ssyncset.done @!p0 $0x0  }
0x31: {  	[sflag:s11] =	ssyncadd.s32 @!p0 $0xFFFFC000  }
0x32: {  	_ =	sfence.sel $0x180000  }
0x33: {  	[bflag:$0x0] =	sbarrier.arrive $0xFFFF  }
0x34: {  	p0 =	sne.s32 s0, $0x0;
	_ =	strace $0x9000004D  }
0x35: {  	s0 =	sadd.s32 @!p0 $0x100000, s1;
	[bflag:$0x2] =	sbarrier.arrive $0xFFFF  }
0x36: {  	[sflag:s0] =	ssyncadd.tile.s32 @!p0 $0x1;
	_ =	shalt  }
.Lfunc_end2:
_tile_overlayer_lowered:
.L_overlay_start_2:
0x37: {  	(tag) =	ssettag $0x2  }
0x38: {  	s0 =	rddreg [dreg:$0x0];
	s2 =	stileid.u32  }
0x39: {  	s1 =	rddreg [dreg:$0x1];
	p0 =	sne.s32 s2, $0x0  }
0x3a: {  	s3 =	rddreg [dreg:$0x2];
	[bflag:$0x3] =	sbarrier.arrive $0xFFFF;
	s2 =	simm.s32 @!p0 $0x1C02  }
0x3b: {  	[timem:s3], [sflag:s2] =	dma.local @!p0 [hbm:s0], s1  }
0x3c: {  	s0 =	simm.s32 @!p0 $0x2  }
0x3d: {  	_ =	swait.ge @!p0 [sflag:s0], s1  }
0x3e: {  	s1 =	ssub.s32 @!p0 $0x0, s1;
	[sflag:s0] =	ssyncset.done @!p0 $0x0  }
0x3f: {  	[sflag:s0] =	ssyncadd.s32 @!p0 s1  }
0x40: {  	[bflag:$0x3] =	sbarrier.arrive $0xFFFF  }
0x41: {  	_ =	shalt  }

// kernel: kernel.9.cloned.1.call-start
scs
__scs_entry_jumppad:
0x0: {  	(pc) =	sbr.rel $0x88, $3  }
0x1: {  	(tag) =	ssettag $0x0;
	lr =	simm.s32 $0x1  }
0x2: {  	[smem:$0x3F90] =	sst lr;
	_ =	strace $0xD0000000  }
0x3: {  	_ = 	snop  }
0x4: {  	_ = 	snop  }
0x5: {  	_ = 	snop  }
0x6: {  	_ = 	snop  }
0x7: {  	_ = 	snop  }
__scs_overlays_trampoline_lowered:
0x8: {  	[smem:$0x3F9F] =	sst s0  }
0x9: {  	[smem:$0x3FA0] =	sst s1  }
0xa: {  	[smem:$0x3FA1] =	sst s2  }
0xb: {  	[smem:$0x3FA2] =	sst s3  }
0xc: {  	[smem:$0x3FA3] =	sst s4  }
0xd: {  	[smem:$0x3FA4] =	sst s5  }
0xe: {  	[smem:$0x3FA5] =	sst s6  }
0xf: {  	[smem:$0x3FA6] =	sst s7  }
0x10: {  	[smem:$0x3FA7] =	sst s8  }
0x11: {  	[smem:$0x3FA8] =	sst s9;
	s0 =	simm.s32 @!p0 $0x0  }
0x12: {  	s1 =	sld [smem:$0x3F8E];
	s0 =	simm.s32 @p0 $0x1  }
0x13: {  	[smem:$0x3FA9] =	sst s0;
	s0 =	simm.s32 @!p1 $0x0  }
0x14: {  	s2 =	sld [smem:$0x3F8D];
	s0 =	simm.s32 @p1 $0x1  }
0x15: {  	[smem:$0x3FAA] =	sst s0;
	s0 =	simm.s32 @!p2 $0x0  }
0x16: {  	s3 =	sld [smem:$0x3FDB];
	s0 =	simm.s32 @p2 $0x1  }
0x17: {  	s4 =	simm.s32 $0x1BF5;
	[smem:$0x3FAC] =	sst s0  }
0x18: {  	s0 =	sld [smem:$0x3F8F];
	_ =	swait.ge [sflag:s4], $0x0  }
0x19: {  	s7 =	sld [smem:$0x3F90]  }
0x1a: {  	s8 =	sadd.s32 $0xFFFFE003, lr  }
0x1b: {  	s9 =	sadd.s32 $0xFFFFFEF7, lr;
	s5 =	simm.s32 $0xFFFFFFFF;
	p2 =	slt.u32 s8, $0xFFFFF086  }
0x1c: {  	p1 =	slt.u32 s9, $0xF7A;
	s5 =	simm.s32 @!p2 $0x0  }
0x1d: {  	s5 =	simm.s32 @p1 $0x1;
	p0 =	seq.s32 s7, s2  }
0x1e: {  	s7 =	smul.u32 @!p0 $0xF7A, s2;
	p2 =	seq.s32 @!p0 s5, $0x0  }
0x1f: {  	s9 =	smul.u32 $0xF7A, s1;
	s8 =	simm.s32 @!p0 $0x1BF5;
	p2 =	por !p2, p0  }
0x20: {  	[sflag:s8] =	ssyncset.s32 @!p0 $0xFFFFF086;
	s6 =	sadd.s32 @!p0 s3, s7;
	s7 =	simm.s32 @!p0 $0x108  }
0x21: {  	s3 =	sadd.s32 s3, s9;
	s6 =	sadd.s32 @!p0 $0x88, s6;
	s7 =	simm.s32 @p2 $0x1082  }
0x22: {  	[simem:s7], [sflag:s8] =	dma.local @!p0 [hbm:s6], $0xF7A  }
0x23: {  	s9 =	sor.u32 $0xD0000000, s2;
	s6 =	simm.s32 $0x108;
	_ =	swait.ge @!p0 [sflag:s8], $0x0  }
0x24: {  	s3 =	sadd.s32 $0x88, s3;
	s6 =	simm.s32 @!p1 $0x1082;
	[sflag:s4] =	ssyncset.s32 $0xFFFFF086  }
0x25: {  	[simem:s6], [sflag:s4] =	dma.local [hbm:s3], $0xF7A  }
0x26: {  	[smem:$0x3F90] =	sst s1;
	(tag) =	ssettag s2;
	_ =	strace s9  }
0x27: {  	s1 =	sld [smem:$0x3FA0]  }
0x28: {  	s2 =	sld [smem:$0x3FA1]  }
0x29: {  	s4 =	sld [smem:$0x3FA3]  }
0x2a: {  	p0 =	seq.s32 s5, $0x0;
	s5 =	sld [smem:$0x3FA4]  }
0x2b: {  	s6 =	sld [smem:$0x3FA5]  }
0x2c: {  	s7 =	sld [smem:$0x3FA6]  }
0x2d: {  	s3 =	simm.s32 $0x108;
	s8 =	sld [smem:$0x3FA7]  }
0x2e: {  	s3 =	simm.s32 @!p0 $0x1082;
	s9 =	sld [smem:$0x3FA8]  }
0x2f: {  	lr =	sadd.s32 s0, s3;
	s0 =	sld [smem:$0x3F9F]  }
0x30: {  	s3 =	sld [smem:$0x3FA2]  }
0x31: {  	[smem:$0x3FAB] =	sst s10  }
0x32: {  	s10 =	sld [smem:$0x3FA9];
	_ =	sdelay $0x3  }
0x33: {  	p0 =	seq.s32 s10, $0x1;
	s10 =	sld [smem:$0x3FAB];
	_ =	sdelay $0x3  }
0x34: {  	[smem:$0x3FAB] =	sst s10  }
0x35: {  	s10 =	sld [smem:$0x3FAA];
	_ =	sdelay $0x3  }
0x36: {  	p1 =	seq.s32 s10, $0x1;
	s10 =	sld [smem:$0x3FAB];
	_ =	sdelay $0x3  }
0x37: {  	[smem:$0x3FAB] =	sst s10  }
0x38: {  	s10 =	sld [smem:$0x3FAC]  }
0x39: {  	_ = 	snop;
	(pc) =	sbr.ind lr, $3  }
0x3a: {  	_ = 	snop  }
0x3b: {  	_ = 	snop  }
0x3c: {  	p2 =	seq.s32 s10, $0x1;
	s10 =	sld [smem:$0x3FAB]  }
0x3d: {  	_ =	shalt  }
0x3e: {  	_ =	shalt  }
0x3f: {  	_ =	shalt  }
0x40: {  	_ =	shalt  }
0x41: {  	_ =	shalt  }
0x42: {  	_ =	shalt  }
0x43: {  	_ =	shalt  }
0x44: {  	_ =	shalt  }
0x45: {  	_ =	shalt  }
0x46: {  	_ =	shalt  }
0x47: {  	_ =	shalt  }
0x48: {  	_ =	shalt  }
0x49: {  	_ =	shalt  }
0x4a: {  	_ =	shalt  }
0x4b: {  	_ =	shalt  }
0x4c: {  	_ =	shalt  }
0x4d: {  	_ =	shalt  }
0x4e: {  	_ =	shalt  }
0x4f: {  	_ =	shalt  }
0x50: {  	_ =	shalt  }
0x51: {  	_ =	shalt  }
0x52: {  	_ =	shalt  }
0x53: {  	_ =	shalt  }
0x54: {  	_ =	shalt  }
0x55: {  	_ =	shalt  }
0x56: {  	_ =	shalt  }
0x57: {  	_ =	shalt  }
0x58: {  	_ =	shalt  }
0x59: {  	_ =	shalt  }
0x5a: {  	_ =	shalt  }
0x5b: {  	_ =	shalt  }
0x5c: {  	_ =	shalt  }
0x5d: {  	_ =	shalt  }
0x5e: {  	_ =	shalt  }
0x5f: {  	_ =	shalt  }
0x60: {  	_ =	shalt  }
0x61: {  	_ =	shalt  }
0x62: {  	_ =	shalt  }
0x63: {  	_ =	shalt  }
0x64: {  	_ =	shalt  }
0x65: {  	_ =	shalt  }
0x66: {  	_ =	shalt  }
0x67: {  	_ =	shalt  }
0x68: {  	_ =	shalt  }
0x69: {  	_ =	shalt  }
0x6a: {  	_ =	shalt  }
0x6b: {  	_ =	shalt  }
0x6c: {  	_ =	shalt  }
0x6d: {  	_ =	shalt  }
0x6e: {  	_ =	shalt  }
0x6f: {  	_ =	shalt  }
0x70: {  	_ =	shalt  }
0x71: {  	_ =	shalt  }
0x72: {  	_ =	shalt  }
0x73: {  	_ =	shalt  }
0x74: {  	_ =	shalt  }
0x75: {  	_ =	shalt  }
0x76: {  	_ =	shalt  }
0x77: {  	_ =	shalt  }
0x78: {  	_ =	shalt  }
0x79: {  	_ =	shalt  }
0x7a: {  	_ =	shalt  }
0x7b: {  	_ =	shalt  }
0x7c: {  	_ =	shalt  }
0x7d: {  	_ =	shalt  }
0x7e: {  	_ =	shalt  }
0x7f: {  	_ =	shalt  }
0x80: {  	_ =	shalt  }
0x81: {  	_ =	shalt  }
0x82: {  	_ =	shalt  }
0x83: {  	_ =	shalt  }
0x84: {  	_ =	shalt  }
0x85: {  	_ =	shalt  }
0x86: {  	_ =	shalt  }
0x87: {  	_ =	shalt  }
.Lfunc_end0:
.L_simem_size_0:
called_computation_lowered:
.L_overlay_start_0:
0x88: {  	s2 =	sld [smem:$0x3FD9]  }
0x89: {  	s3 =	sld [smem:$0x3FFE];
	_ =	sdelay $0x1  }
0x8a: {  	s1 =	srdreg.scid  }
0x8b: {  	s0 =	sand.u32 $0x1, s1  }
0x8c: {  	s17 =	sshll.u32 s0, $0xA;
	s2 =	sadd.s32 s3, s2  }
0x8d: {  	s2 =	sadd.s32 s2, s17  }
0x8e: {  	[smem:$0x3FB7] =	sst s2  }
0x8f: {  	_ = 	snop  }
0x90: {  	(tm) =	ssettm $0x1  }
0x91: {  	s18 =	sld [smem:$0x3FFB];
	_ =	sdelay $0x3  }
0x92: {  	_ =	strace s18  }
0x93: {  	s2 =	sld [smem:$0x3FFC];
	_ =	sdelay $0x3  }
0x94: {  	_ =	strace s2  }
0x95: {  	s2 =	sld [smem:$0x3FFD];
	_ =	sdelay $0x3  }
0x96: {  	_ =	strace s2  }
0x97: {  	_ =	strace $0x8FFFFFFF  }
0x98: {  	s19 =	sld [smem:$0x3FDB];
	_ =	sdelay $0x1  }
0x99: {  	s20 =	simm.s32 $_scs_section_size  }
0x9a: {  	s4 =	simm.s32 $_size__tile_overlayer_lowered;
	s5 =	simm.s32 $_tile_overlayer_lowered  }
0x9b: {  	s6 =	simm.s32 $0x1BFF;
	s21 =	sshll.u32 s5, $0x1;
	s3 =	sadd.s32 s20, s19  }
0x9c: {  	s22 =	simm.s32 $0x0;
	s4 =	sshll.u32 s4, $0x1;
	s5 =	sadd.s32 s21, s3  }
0x9d: {  	[timem:s22], [sflag:s6] =	dma.local [hbm:s5], s4  }
0x9e: {  	_ =	swait.ge [sflag:s6], s4  }
0x9f: {  	s4 =	ssub.s32 $0x0, s4;
	[sflag:s6] =	ssyncset.done $0x0  }
0xa0: {  	[sflag:s6] =	ssyncadd.s32 s4;
	_ =	sdelay $0x1  }
0xa1: {  	s23 =	simm.s32 $0x1B8B  }
0xa2: {  	_ =	swait.ge [sflag:s23], $0x1  }
0xa3: {  	[sflag:s23] =	ssyncset.done $0x0  }
0xa4: {  	[sflag:s23] =	ssyncadd.s32 $0xFFFFFFFF  }
0xa5: {  	s4 =	sld [smem:$0x0]  }
0xa6: {  	s5 =	sand.u32 $0xFFFFFFFE, s1  }
0xa7: {  	p0 =	sne.s32 s1, s5  }
0xa8: {  	s5 =	sshll.u32 @p0 s5, $0xE  }
0xa9: {  	s5 =	sadd.s32 @p0 $0x11B8D, s5;
	s6 =	sshll.u32 @p0 s4, $0x11  }
0xaa: {  	s5 =	sor.u32 @p0 s6, s5  }
0xab: {  	[sflag:s5] =	ssyncadd.remote.s32 @p0 $0x1;
	_ =	sdelay $0x1  }
0xac: {  	s5 =	simm.s32 @p0 $0x1B8D  }
0xad: {  	_ =	swait.eq @p0 [sflag:s5], $0x1  }
0xae: {  	[sflag:s5] =	ssyncadd.s32 @p0 $0xFFFFFFFF  }
0xaf: {  	s6 =	sshll.u32 @!p0 s1, $0xE  }
0xb0: {  	s6 =	sor.u32 @!p0 $0x4000, s6;
	s5 =	simm.s32 @!p0 $0x1B8D  }
0xb1: {  	s4 =	sshll.u32 @!p0 s4, $0x11;
	s6 =	sadd.s32 @!p0 $0x11B8D, s6;
	_ =	swait.eq @!p0 [sflag:s5], $0x1  }
0xb2: {  	s4 =	sor.u32 @!p0 s4, s6;
	[sflag:s5] =	ssyncadd.s32 @!p0 $0xFFFFFFFF  }
0xb3: {  	s25 =	simm.s32 $0x1B8E;
	s24 =	sld [smem:$0x3FFE];
	[sflag:s4] =	ssyncadd.remote.s32 @!p0 $0x1  }
0xb4: {  	s26 =	simm.s32 $execute0_lowered;
	[smem:$0x3FD2] =	sst s25  }
0xb5: {  	s5 =	sshll.u32 s26, $0x1;
	_ =	strace $0x80000049;
	[dreg:$0x1] =	wrdreg $0xFFFFFFFF  }
0xb6: {  	s28 =	simm.s32 $_size_execute0_lowered;
	s3 =	sadd.s32 s3, s5;
	[dreg:$0x0] =	wrdreg $0x0  }
0xb7: {  	s5 =	sshll.u32 s28, $0x1;
	[dreg:$0x2] =	wrdreg s3  }
0xb8: {  	[dreg:$0x3] =	wrdreg s5  }
0xb9: {  	[dreg:$0x4] =	wrdreg $0xC0  }
0xba: {  	_ =	task [dreg:s22], $0x5FFFF  }
0xbb: {  	[dreg:$0x1] =	wrdreg $0xFFFFFFFF  }
0xbc: {  	[dreg:$0x0] =	wrdreg $0x60  }
0xbd: {  	[dreg:$0x2] =	wrdreg s24  }
0xbe: {  	[dreg:$0x3] =	wrdreg $0x9  }
0xbf: {  	_ =	task.clear_ibuf [dreg:s22], $0x4FFFF;
	_ =	strace $0x90000049  }
0xc0: {  	s29 =	simm.s32 $0x9;
	_ =	strace $0x8000004B  }
0xc1: {  	_ =	swait.ge [sflag:s29], $0x1  }
0xc2: {  	[sflag:s29] =	ssyncadd.s32 $0xFFFFFFFF  }
0xc3: {  	_ =	strace $0x9000004B  }
0xc4: {  	_ =	sfence  }
0xc5: {  	s30 =	sld [smem:$0x0];
	_ =	sdelay $0x2  }
0xc6: {  	s31 =	sshll.u32 s1, $0xD;
	s1 =	sshrl.u32 s1, $0x2  }
0xc7: {  	s4 =	sand.u32 $0x4000, s31;
	s1 =	sadd.s32 s1, s30  }
0xc8: {  	s0 =	sor.u32 s4, s0;
	s1 =	sshll.u32 s1, $0x11  }
0xc9: {  	s0 =	sor.u32 s1, s0  }
0xca: {  	s0 =	sadd.s32 $0x8F2B, s0  }
0xcb: {  	[sflag:s0] =	ssyncadd.remote.s32 $0x1  }
0xcc: {  	_ =	sfence.sel $0xFFFF  }
0xcd: {  	[dreg:$0x0] =	wrdreg $0xFFFFFFFF;
	(pc) =	sbr.abs _section_cstart, $3  }
0xce: {  	[dreg:$0x1] =	wrdreg $0xFFFFFFFF  }
0xcf: {  	_ =	task.clear_ibuf [dreg:s22], $0x2FFFF;
	_ =	strace $0x9FFFFFFF  }
0xd0: {  	(tm) =	ssettm $0x7FFFFFFF  }
0xd1: {  	_ =	shalt  }
tec
execute0_lowered:
.L_overlay_start_1:
0x0: {  	(tag) =	ssettag $0x1  }
0x1: {  	s1 =	srdreg.scid  }
0x2: {  	s0 =	stileid.u32;
	s3 =	rddreg [dreg:$0x0];
	s2 =	simm.s32 $0x0  }
0x3: {  	s4 =	sand.u32 $0x1, s1;
	s5 =	sshll.u32 s0, $0x1;
	s6 =	smul.u32 $0x1900, s0  }
0x4: {  	s5 =	sor.u32 s4, s5;
	s30 =	ssub.s32 $0x2, s4;
	s10 =	smul.u32 $0xC80, s4  }
0x5: {  	[smem:$0x7FF] =	sst s2;
	s7 =	smul.u32 $0xC80, s5;
	s9 =	sshrl.u32 s30, $0x1  }
0x6: {  	s1 =	rddreg [dreg:$0x1];
	_ =	strace $0x8000004A;
	s5 =	ssub.s32 s30, s9  }
0x7: {  	s6 =	sadd.s32 s10, s6;
	s9 =	simm.s32 $0x0;
	s8 =	sshrl.u32 s7, $0x3  }
0x8: {  	s5 =	smax.u32 s5, $0x1;
	v0 =	vmov s7;
	s7 =	simm.s32 $0xC80;
	s31 =	sadd.s32 s8, s3  }
0x9: {  	v1 =	vimm.s32 $0xFFFFFFFF;
	v2 =	vlaneseq.u32;
	s3 =	sadd.s32 $0x2600, s3;
	s8 =	simm.s32 $0x1;
	s4 =	sadd.s32 $0x4B2A00, s31  }
.LBB2_1:
0xa: {  	s10 =	simm.s32 $0x40;
	s11 =	simm.s32 $0x0  }
.LBB2_2:
0xb: {  	p0 =	sne.s32 s10, $0x31C0;
	[tilespmem:s11+$0x0] =	vst v1;
	s11 =	smov.u32 s10;
	s10 =	sadd.s32 $0x40, s10  }
.Ltmp0:
0xc: {  	(pc) =	sbr.rel @p0 .LBB2_2-.Ltmp0, $2  }
0xd: {  	_ =	sdelay $0x2  }
0xe: {  	s11 =	sshra.s32 s11, $0x2  }
0xf: {  	[tilespmem:s11+$0x0] =	vst v1;
	s10 =	simm.s32 $0x0;
	s11 =	simm.s32 $0x0;
	s12 =	simm.s32 $0x0  }
.LBB2_4:
0x10: {  	s13 =	smul.u32 $0xFA0, s12;
	_ =	sdelay $0x1  }
0x11: {  	s13 =	sshrl.u32 s13, $0x3  }
0x12: {  	s13 =	sadd.s32 s3, s13  }
0x13: {  	[tilespmem:s7], [sflag:$0x1] =	stream.linear.gather [hbm4b:s13+s10], $0xFA0, $0x38;
	[tilespmem:$0x1C80] =	vst v63  }
0x14: {  	_ =	swait.ge [sflag:s8], $0xFA0  }
0x15: {  	[sflag:s8] =	ssyncset.done $0x0  }
0x16: {  	s31 =	simm.s32 $0x0;
	[sflag:s8] =	ssyncadd.s32 $0xFFFFF060  }
0x17: {  	v3 =	vld [tilespmem:s31+$0xC80];
	_ =	sdelay $0x4  }
0x18: {  	v3 =	vsub.s32 v3, v0  }
0x19: {  	vm0 =	vgt.s32 v3, $0x0  }
0x1a: {  	vm1 =	vlt.u32 v3, $0xC80;
	v3 =	vnsel vm0, $0x0, v3  }
0x1b: {  	v3 =	vmin.u32 v3, $0xC7F;
	_ =	sdelay $0x3  }
0x1c: {  	v4 =	vor.u32 s11, v2  }
0x1d: {  	s15 =	simm.s32 $0x10;
	s14 =	simm.s32 $0x80;
	s13 =	smov.u32 s11;
	[tilespmem:v3+s2+$0x0] =	vst.idx.msk vm1, v4  }
.LBB2_5:
0x1e: {  	p0 =	sne.s32 s14, $0x3E40;
	v3 =	vld [tilespmem:s15+$0xC80];
	_ =	sdelay $0x4  }
0x1f: {  	v3 =	vsub.s32 v3, v0  }
0x20: {  	vm0 =	vgt.s32 v3, $0x0  }
0x21: {  	vm1 =	vlt.u32 v3, $0xC80;
	v3 =	vnsel vm0, $0x0, v3  }
0x22: {  	v3 =	vmin.u32 v3, $0xC7F  }
.Ltmp1:
0x23: {  	(pc) =	sbr.rel @p0 .LBB2_5-.Ltmp1, $4  }
0x24: {  	_ = 	snop  }
0x25: {  	s13 =	sadd.s32 $0x10, s13  }
0x26: {  	v4 =	vor.u32 s13, v2  }
0x27: {  	s15 =	sshra.s32 s14, $0x2;
	s14 =	sadd.s32 $0x40, s14;
	[tilespmem:v3+s2+$0x0] =	vst.idx.msk vm1, v4  }
0x28: {  	v3 =	vld [tilespmem:s15+$0xC80];
	_ =	sdelay $0x4  }
0x29: {  	v3 =	vsub.s32 v3, v0  }
0x2a: {  	vm0 =	vgt.s32 v3, $0x0  }
0x2b: {  	s12 =	sadd.s32 $0x1, s12;
	vm1 =	vlt.u32 v3, $0xC80;
	v3 =	vnsel vm0, $0x0, v3  }
0x2c: {  	p0 =	sne.s32 s12, $0x19;
	v3 =	vmin.u32 v3, $0xC7F  }
.Ltmp2:
0x2d: {  	_ = 	snop;
	(pc) =	sbr.rel @p0 .LBB2_4-.Ltmp2, $4  }
0x2e: {  	_ = 	snop  }
0x2f: {  	s13 =	sadd.s32 $0x10, s13  }
0x30: {  	v4 =	vor.u32 s13, v2  }
0x31: {  	s11 =	sadd.s32 $0xFA0, s11;
	[tilespmem:v3+s2+$0x0] =	vst.idx.msk vm1, v4  }
0x32: {  	s11 =	simm.s32 $0x0  }
0x33: {  	v3 =	vld [tilespmem:s11+$0x0];
	_ =	sdelay $0x2  }
0x34: {  	v4 =	vor.u32 s6, v2  }
0x35: {  	v4 =	vand.u32 $0xFF, v4  }
0x36: {  	v4 =	vadd.s32 $0x186A0, v4;
	vm0 =	vlt.s32 v3, $0x0  }
0x37: {  	v3 =	vsel vm0, v4, v3  }
0x38: {  	s10 =	simm.s32 $0x10;
	s12 =	simm.s32 $0x80;
	[tilespmem:s11+$0x0] =	vst v3;
	s11 =	smov.u32 s6  }
.LBB2_8:
0x39: {  	p0 =	sne.s32 s12, $0x31C0;
	v3 =	vld [tilespmem:s10+$0x0];
	_ =	sdelay $0x1  }
0x3a: {  	s11 =	sadd.s32 $0x10, s11  }
.Ltmp3:
0x3b: {  	v4 =	vor.u32 s11, v2;
	(pc) =	sbr.rel @p0 .LBB2_8-.Ltmp3, $4  }
0x3c: {  	v4 =	vand.u32 $0xFF, v4  }
0x3d: {  	v4 =	vadd.s32 $0x186A0, v4;
	vm0 =	vlt.s32 v3, $0x0  }
0x3e: {  	v3 =	vsel vm0, v4, v3  }
0x3f: {  	[tilespmem:s10+$0x0] =	vst v3;
	s10 =	sshra.s32 s12, $0x2;
	s12 =	sadd.s32 $0x40, s12  }
0x40: {  	v3 =	vld [tilespmem:s10+$0x0];
	_ =	sdelay $0x1  }
0x41: {  	s11 =	sadd.s32 $0x10, s11  }
0x42: {  	v4 =	vor.u32 s11, v2  }
0x43: {  	v4 =	vand.u32 $0xFF, v4  }
0x44: {  	s9 =	sadd.s32 $0x1, s9;
	v4 =	vadd.s32 $0x186A0, v4;
	vm0 =	vlt.s32 v3, $0x0  }
0x45: {  	p0 =	sne.s32 s9, s5;
	v3 =	vsel vm0, v4, v3  }
.Ltmp4:
0x46: {  	[tilespmem:s10+$0x0] =	vst v3;
	(pc) =	sbr.rel @p0 .LBB2_1-.Ltmp4, $4  }
0x47: {  	[hbm4b:s4+s2] =	stream.linear.scatter [tilespmem:s2], [sflag:$0x1], $0xC80, $0x38;
	[tilespmem:$0x1C80] =	vst v63  }
0x48: {  	_ =	swait.ge [sflag:s8], $0xC80  }
0x49: {  	[sflag:s8] =	ssyncset.done $0x0  }
0x4a: {  	[sflag:s8] =	ssyncadd.s32 $0xFFFFF380  }
0x4b: {  	_ =	sfence.sel $0x180000  }
0x4c: {  	[bflag:$0x0] =	sbarrier.arrive $0xFFFF  }
0x4d: {  	p0 =	sne.s32 s0, $0x0;
	_ =	strace $0x9000004A  }
0x4e: {  	s0 =	sadd.s32 @!p0 $0x100000, s1;
	[bflag:$0x2] =	sbarrier.arrive $0xFFFF  }
0x4f: {  	[sflag:s0] =	ssyncadd.tile.s32 @!p0 $0x1;
	_ =	shalt  }
.Lfunc_end2:
_tile_overlayer_lowered:
.L_overlay_start_2:
0x50: {  	(tag) =	ssettag $0x2  }
0x51: {  	s0 =	rddreg [dreg:$0x0];
	s2 =	stileid.u32  }
0x52: {  	s1 =	rddreg [dreg:$0x1];
	p0 =	sne.s32 s2, $0x0  }
0x53: {  	s3 =	rddreg [dreg:$0x2];
	[bflag:$0x3] =	sbarrier.arrive $0xFFFF;
	s2 =	simm.s32 @!p0 $0x1C01  }
0x54: {  	[timem:s3], [sflag:s2] =	dma.local @!p0 [hbm:s0], s1  }
0x55: {  	s0 =	simm.s32 @!p0 $0x1  }
0x56: {  	_ =	swait.ge @!p0 [sflag:s0], s1  }
0x57: {  	s1 =	ssub.s32 @!p0 $0x0, s1;
	[sflag:s0] =	ssyncset.done @!p0 $0x0  }
0x58: {  	[sflag:s0] =	ssyncadd.s32 @!p0 s1  }
0x59: {  	[bflag:$0x3] =	sbarrier.arrive $0xFFFF  }
0x5a: {  	_ =	shalt  }

</sc_bundles>
